<compile_context>
chip_gen: v7x
topology: tpu7x:2x2x1
jax: 0.10.2.dev20260603
libtpu: 0.0.44.dev20260713+nightly
codegen_flags: <defaults>
</compile_context>

<pallas_src>
import functools

import jax
import jax.numpy as jnp
from jax import lax
from jax.experimental import pallas as pl
from jax.experimental.pallas import tpu as pltpu
from jax.experimental.pallas import tpu_sc as plsc

TOPK = 8
EMBED_DIM = 1024
MEMORY_SIZE = 4096
TOKENS_PER_BLOCK = 256
BS_TOTAL = 8192

_NC = 2
_NS = 16
_NW = _NC * _NS
_TPW = BS_TOTAL // _NW
_CHUNK = 8
_NCHUNK = _TPW // _CHUNK


def _topk_body(x_ref, mem_ref, wq_ref, bq_ref, idx_ref, wts_ref, memt_s):
    i = pl.program_id(0)

    @pl.when(i == 0)
    def _init():
        memt_s[...] = mem_ref[...].astype(jnp.bfloat16).T

    xb = x_ref[...].astype(jnp.bfloat16)
    q = jnp.dot(xb, wq_ref[...],
                preferred_element_type=jnp.float32) + bq_ref[...]
    s = jnp.dot(q.astype(jnp.bfloat16), memt_s[...],
                preferred_element_type=jnp.float32)
    sb = s.astype(jnp.bfloat16)
    b32 = lax.bitcast_convert_type(sb, jnp.int16).astype(jnp.int32)
    u = b32 & 0xFFFF
    key = jnp.where(u >= 0x8000, 0x8000 - u, u)
    lanes = lax.broadcasted_iota(jnp.int32, s.shape, 1)
    k32 = key * 4096 + (MEMORY_SIZE - 1 - lanes)
    sentinel = jnp.int32(-(2 ** 31) + 1)

    def decode_val(m32):
        keyd = m32 >> 12
        ud = jnp.where(keyd < 0, 0x8000 - keyd, keyd)
        bits = ud.astype(jnp.int16)
        return lax.bitcast_convert_type(bits, jnp.bfloat16).astype(
            jnp.float32)

    m = jnp.max(k32, axis=1, keepdims=True)
    smax = decode_val(m)
    zsum = jnp.ones_like(smax)
    idx_cols = [MEMORY_SIZE - 1 - (m & (MEMORY_SIZE - 1))]
    wt_cols = [jnp.ones_like(smax)]
    for k in range(TOPK - 1):
        m = jnp.max(jnp.where(k32 < m, k32, sentinel), axis=1, keepdims=True)
        wt = jnp.exp(decode_val(m) - smax)
        zsum = zsum + wt
        idx_cols.append(MEMORY_SIZE - 1 - (m & (MEMORY_SIZE - 1)))
        wt_cols.append(wt)
    idx_ref[...] = jnp.concatenate(idx_cols, axis=1)
    wts_ref[...] = jnp.concatenate(wt_cols, axis=1) / zsum


def _sc_gather(mem_hbm, idx_hbm, wts_hbm, out_hbm,
               idx_v, wts_v, rows_v, out_v, sem):
    wid = lax.axis_index("s") * _NC + lax.axis_index("c")
    ibase = wid * (_TPW * TOPK)
    tbase = wid * _TPW
    pltpu.sync_copy(idx_hbm.at[pl.ds(ibase, _TPW * TOPK)], idx_v)
    pltpu.sync_copy(wts_hbm.at[pl.ds(ibase, _TPW * TOPK)], wts_v)

    def chunk(c, carry):
        pltpu.async_copy(
            mem_hbm.at[idx_v.at[pl.ds(c * (_CHUNK * TOPK), _CHUNK * TOPK)]],
            rows_v, sem).wait()

        def dblk(dd, carry2):
            for tt in range(_CHUNK // 2):
                wpair = wts_v[pl.ds(c * (_CHUNK * TOPK) + tt * 16, 16)]
                for u in range(2):
                    t = tt * 2 + u
                    acc = jnp.zeros((16,), jnp.float32)
                    for k in range(TOPK):
                        acc = acc + (wpair[u * TOPK + k]
                                     * rows_v[t * TOPK + k,
                                              pl.ds(dd * 16, 16)])
                    out_v[t, pl.ds(dd * 16, 16)] = acc
            return carry2

        lax.fori_loop(0, EMBED_DIM // 16, dblk, 0, unroll=False)
        pltpu.sync_copy(out_v,
                        out_hbm.at[pl.ds(tbase + c * _CHUNK, _CHUNK)])
        return carry

    lax.fori_loop(0, _NCHUNK, chunk, 0, unroll=False)


def _ffn_body(x_ref, mo_ref, wf_ref, bf_ref, g_ref, b_ref, o_ref):
    xb = x_ref[...].astype(jnp.bfloat16)
    mo = mo_ref[...].astype(jnp.bfloat16)
    cat = jnp.concatenate([xb, mo], axis=1)
    h = jnp.dot(cat, wf_ref[...],
                preferred_element_type=jnp.float32) + bf_ref[...]
    mean = jnp.mean(h, axis=1, keepdims=True)
    var = jnp.mean(h * h, axis=1, keepdims=True) - mean * mean
    hn = (h - mean) * lax.rsqrt(var + 1e-5) * g_ref[...] + b_ref[...]
    o_ref[...] = jnp.maximum(hn, 0.0)


def kernel(x, memory, Wq, bq, Wf, bf, gamma, beta):
    b, s, d = x.shape
    bs = b * s
    x2 = x.reshape(bs, d)
    wq_bf = Wq.astype(jnp.bfloat16)
    wf_bf = Wf.astype(jnp.bfloat16)
    T = TOKENS_PER_BLOCK
    grid = (bs // T,)
    full = lambda i: (0, 0)

    idx, wts = pl.pallas_call(
        _topk_body,
        grid=grid,
        in_specs=[
            pl.BlockSpec((T, d), lambda i: (i, 0)),
            pl.BlockSpec((MEMORY_SIZE, d), full),
            pl.BlockSpec((d, d), full),
            pl.BlockSpec((1, d), full),
        ],
        out_specs=[
            pl.BlockSpec((T, TOPK), lambda i: (i, 0)),
            pl.BlockSpec((T, TOPK), lambda i: (i, 0)),
        ],
        out_shape=[
            jax.ShapeDtypeStruct((bs, TOPK), jnp.int32),
            jax.ShapeDtypeStruct((bs, TOPK), jnp.float32),
        ],
        scratch_shapes=[
            pltpu.VMEM((EMBED_DIM, MEMORY_SIZE), jnp.bfloat16),
        ],
        compiler_params=pltpu.CompilerParams(
            dimension_semantics=("arbitrary",),
        ),
    )(x2, memory, wq_bf, bq.reshape(1, d))

    mesh = plsc.VectorSubcoreMesh(core_axis_name="c", subcore_axis_name="s")
    mo = pl.kernel(
        _sc_gather,
        mesh=mesh,
        out_type=jax.ShapeDtypeStruct((bs, d), jnp.float32),
        scratch_types=[
            pltpu.VMEM((_TPW * TOPK,), jnp.int32),
            pltpu.VMEM((_TPW * TOPK,), jnp.float32),
            pltpu.VMEM((_CHUNK * TOPK, EMBED_DIM), jnp.float32),
            pltpu.VMEM((_CHUNK, EMBED_DIM), jnp.float32),
            pltpu.SemaphoreType.DMA,
        ],
    )(memory, idx.reshape(-1), wts.reshape(-1))

    out = pl.pallas_call(
        _ffn_body,
        grid=grid,
        in_specs=[
            pl.BlockSpec((T, d), lambda i: (i, 0)),
            pl.BlockSpec((T, d), lambda i: (i, 0)),
            pl.BlockSpec((2 * d, d), full),
            pl.BlockSpec((1, d), full),
            pl.BlockSpec((1, d), full),
            pl.BlockSpec((1, d), full),
        ],
        out_specs=pl.BlockSpec((T, d), lambda i: (i, 0)),
        out_shape=jax.ShapeDtypeStruct((bs, d), jnp.float32),
        compiler_params=pltpu.CompilerParams(
            dimension_semantics=("arbitrary",),
        ),
    )(x2, mo, wf_bf, bf.reshape(1, d), gamma.reshape(1, d),
      beta.reshape(1, d))
    return out.reshape(b, s, d)

# --- scband reference (transcript-rebuilt; emitter-appended) ---
"""Pipeline reference for scband-memory-enhanced-module-46557445488996 (READ-ONLY COPY).

The authoritative reference and input builder live on the scoring server;
editing this copy changes nothing except your own understanding.
"""

import jax, jax.numpy as jnp
import numpy as np

TOPK = 8
EMBED_DIM = 1024
MEMORY_SIZE = 4096
B, S = 4, 2048


def setup_inputs(seed: int = 0) -> dict:
    key = jax.random.key(seed)
    ks = jax.random.split(key, 6)
    x = jax.random.normal(ks[0], (B, S, EMBED_DIM), dtype=jnp.float32)
    memory = jax.random.normal(ks[1], (MEMORY_SIZE, EMBED_DIM), dtype=jnp.float32) * (1.0 / np.sqrt(EMBED_DIM))
    Wq = jax.random.normal(ks[2], (EMBED_DIM, EMBED_DIM), dtype=jnp.float32) * (1.0 / np.sqrt(EMBED_DIM))
    bq = jnp.zeros((EMBED_DIM,), dtype=jnp.float32)
    Wf = jax.random.normal(ks[3], (2 * EMBED_DIM, EMBED_DIM), dtype=jnp.float32) * (1.0 / np.sqrt(2 * EMBED_DIM))
    bf = jnp.zeros((EMBED_DIM,), dtype=jnp.float32)
    gamma = jnp.ones((EMBED_DIM,), dtype=jnp.float32)
    beta = jnp.zeros((EMBED_DIM,), dtype=jnp.float32)
    return {"x": x, "memory": memory, "Wq": Wq, "bq": bq, "Wf": Wf, "bf": bf, "gamma": gamma, "beta": beta}


def reference(x, memory, Wq, bq, Wf, bf, gamma, beta):
    b, s, d = x.shape
    query = (x @ Wq + bq).reshape(b * s, d)
    sim = query @ memory.T  # [BS, M]
    topk_sim, topk_idx = jax.lax.top_k(sim, TOPK)
    w = jax.nn.softmax(topk_sim, axis=1)[:, :, None]  # [BS, k, 1]
    retrieved = jnp.take(memory, topk_idx, axis=0)  # [BS, k, D]
    memory_output = jnp.sum(retrieved * w, axis=1).reshape(b, s, d)
    cat = jnp.concatenate([x, memory_output], axis=2)
    h = cat @ Wf + bf
    mean = jnp.mean(h, axis=-1, keepdims=True)
    var = jnp.mean((h - mean) ** 2, axis=-1, keepdims=True)
    hn = (h - mean) / jnp.sqrt(var + 1e-5) * gamma + beta
    return jax.nn.relu(hn)

if __name__ == "__main__":
    import jax
    _d = setup_inputs()
    print(jax.jit(kernel)(*tuple(_d.values())))

</pallas_src>

<mosaic_0001>
#map = affine_map<(d0, d1) -> (0, 0)>
#map1 = affine_map<(d0, d1) -> (0)>
module attributes {stable_mosaic.version = 14 : i64} {
  func.func @_sc_gather(%arg0: i32, %arg1: i32, %arg2: memref<4096x1024xf32, #tpu.memory_space<hbm>>, %arg3: memref<65536xi32, #tpu.memory_space<hbm>>, %arg4: memref<65536xf32, #tpu.memory_space<hbm>>, %arg5: memref<8192x1024xf32, #tpu.memory_space<hbm>>, %arg6: memref<2048xi32, #tpu.memory_space<vmem>>, %arg7: memref<2048xf32, #tpu.memory_space<vmem>>, %arg8: memref<64x1024xf32, #tpu.memory_space<vmem>>, %arg9: memref<8x1024xf32, #tpu.memory_space<vmem>>, %arg10: memref<!tpu.dma_semaphore, #tpu.memory_space<semaphore_mem>>) attributes {dimension_semantics = [#tpu.dimension_semantics<core_parallel>, #tpu.dimension_semantics<subcore_parallel>], iteration_bounds = array<i64: 2, 16>, scalar_prefetch = 0 : i64, scratch_operands = 5 : i64, tpu.core_type = #tpu.core_type<sc_vector_subcore>, window_params = [{transform_indices = #map}, {transform_indices = #map1}, {transform_indices = #map1}, {transform_indices = #map}]} {
    %mul3A = arith.constant 2 : i32
    %mul3A_0 = arith.muli %arg1, %mul3A : i32
    %add3A = arith.addi %mul3A_0, %arg0 : i32
    %mul3A_1 = arith.constant 2048 : i32
    %mul3A_2 = arith.muli %add3A, %mul3A_1 : i32
    %mul3A_3 = arith.constant 256 : i32
    %mul3A_4 = arith.muli %add3A, %mul3A_3 : i32
    "tpu.region"() ({
      %run_scoped3A = tpu.sem_alloc : memref<!tpu.dma_semaphore, #tpu.memory_space<semaphore_mem>>
      %dma_start3A = tpu.memref_slice %arg3[%mul3A_2] : memref<65536xi32, #tpu.memory_space<hbm>> -> memref<2048xi32, #tpu.memory_space<hbm>>
      %dma_start3A_10 = tpu.memref_slice %arg3[%mul3A_2] : memref<65536xi32, #tpu.memory_space<hbm>> -> memref<2048xi32, #tpu.memory_space<hbm>>
      tpu.enqueue_dma source(%dma_start3A_10 : memref<2048xi32, #tpu.memory_space<hbm>>) target(%arg6 : memref<2048xi32, #tpu.memory_space<vmem>>) target_semaphore(%run_scoped3A : memref<!tpu.dma_semaphore, #tpu.memory_space<semaphore_mem>>)
      %dma_wait3A = tpu.memref_slice %arg3[%mul3A_2] : memref<65536xi32, #tpu.memory_space<hbm>> -> memref<2048xi32, #tpu.memory_space<hbm>>
      %dma_wait3A_11 = tpu.memref_slice %arg3[%mul3A_2] : memref<65536xi32, #tpu.memory_space<hbm>> -> memref<2048xi32, #tpu.memory_space<hbm>>
      tpu.wait_dma2 semaphore(%run_scoped3A : memref<!tpu.dma_semaphore, #tpu.memory_space<semaphore_mem>>) src(%dma_wait3A_11 : memref<2048xi32, #tpu.memory_space<hbm>>) dst(%arg6 : memref<2048xi32, #tpu.memory_space<vmem>>)
      tpu.yield
    }) : () -> ()
    "tpu.region"() ({
      %run_scoped3A = tpu.sem_alloc : memref<!tpu.dma_semaphore, #tpu.memory_space<semaphore_mem>>
      %dma_start3A = tpu.memref_slice %arg4[%mul3A_2] : memref<65536xf32, #tpu.memory_space<hbm>> -> memref<2048xf32, #tpu.memory_space<hbm>>
      %dma_start3A_10 = tpu.memref_slice %arg4[%mul3A_2] : memref<65536xf32, #tpu.memory_space<hbm>> -> memref<2048xf32, #tpu.memory_space<hbm>>
      tpu.enqueue_dma source(%dma_start3A_10 : memref<2048xf32, #tpu.memory_space<hbm>>) target(%arg7 : memref<2048xf32, #tpu.memory_space<vmem>>) target_semaphore(%run_scoped3A : memref<!tpu.dma_semaphore, #tpu.memory_space<semaphore_mem>>)
      %dma_wait3A = tpu.memref_slice %arg4[%mul3A_2] : memref<65536xf32, #tpu.memory_space<hbm>> -> memref<2048xf32, #tpu.memory_space<hbm>>
      %dma_wait3A_11 = tpu.memref_slice %arg4[%mul3A_2] : memref<65536xf32, #tpu.memory_space<hbm>> -> memref<2048xf32, #tpu.memory_space<hbm>>
      tpu.wait_dma2 semaphore(%run_scoped3A : memref<!tpu.dma_semaphore, #tpu.memory_space<semaphore_mem>>) src(%dma_wait3A_11 : memref<2048xf32, #tpu.memory_space<hbm>>) dst(%arg7 : memref<2048xf32, #tpu.memory_space<vmem>>)
      tpu.yield
    }) : () -> ()
    %scan3A = arith.constant 0 : i32
    %scan3A_5 = arith.constant 0 : i32
    %scan3A_6 = arith.constant 32 : i32
    %scan3A_7 = arith.addi %scan3A_5, %scan3A_6 : i32
    %scan3A_8 = arith.constant 1 : i32
    scf.for %scan3A_10 = %scan3A_5 to %scan3A_7 step %scan3A_8  : i32 {
      %mul3A_11 = arith.constant 64 : i32
      %mul3A_12 = arith.muli %scan3A_10, %mul3A_11 : i32
      %dma_start3A = tpu.memref_slice %arg6[%mul3A_12] : memref<2048xi32, #tpu.memory_space<vmem>> -> memref<64xi32, #tpu.memory_space<vmem>>
      %dma_start3A_13 = arith.constant 0 : i32
      %dma_start3A_14 = arith.constant 0 : i32
      %dma_start3A_15 = tpu.memref_slice %arg2[%dma_start3A_13, %dma_start3A_14] : memref<4096x1024xf32, #tpu.memory_space<hbm>> -> memref<4096x1024xf32, #tpu.memory_space<hbm>>
      tpu.enqueue_indirect_dma source(%dma_start3A_15 : memref<4096x1024xf32, #tpu.memory_space<hbm>>) target(%arg8 : memref<64x1024xf32, #tpu.memory_space<vmem>>) offsets(%dma_start3A : memref<64xi32, #tpu.memory_space<vmem>>) semaphore(%arg10 : memref<!tpu.dma_semaphore, #tpu.memory_space<semaphore_mem>>)
      %dma_wait3A = tpu.memref_slice %arg6[%mul3A_12] : memref<2048xi32, #tpu.memory_space<vmem>> -> memref<64xi32, #tpu.memory_space<vmem>>
      %dma_wait3A_16 = arith.constant 0 : i32
      %dma_wait3A_17 = arith.constant 0 : i32
      %dma_wait3A_18 = tpu.memref_slice %arg2[%dma_wait3A_16, %dma_wait3A_17] : memref<4096x1024xf32, #tpu.memory_space<hbm>> -> memref<4096x1024xf32, #tpu.memory_space<hbm>>
      tpu.wait_indirect_dma semaphore(%arg10 : memref<!tpu.dma_semaphore, #tpu.memory_space<semaphore_mem>>) src(%dma_wait3A_18 : memref<4096x1024xf32, #tpu.memory_space<hbm>>) dst(%arg8 : memref<64x1024xf32, #tpu.memory_space<vmem>>)
      %scan3A_19 = arith.constant 0 : i32
      %scan3A_20 = arith.constant 0 : i32
      %scan3A_21 = arith.constant 64 : i32
      %scan3A_22 = arith.addi %scan3A_20, %scan3A_21 : i32
      %scan3A_23 = arith.constant 1 : i32
      scf.for %scan3A_28 = %scan3A_20 to %scan3A_22 step %scan3A_23  : i32 {
        %mul3A_29 = arith.constant 64 : i32
        %mul3A_30 = arith.muli %scan3A_10, %mul3A_29 : i32
        %add3A_31 = arith.constant 0 : i32
        %add3A_32 = arith.addi %mul3A_30, %add3A_31 : i32
        %get3A = arith.index_cast %add3A_32 : i32 to index
        %get3A_33 = tpu.vector_load %arg7[%get3A] {strides = array<i32>} : memref<2048xf32, #tpu.memory_space<vmem>>, vector<16xf32>,
        %get3A_34 = vector.shape_cast %get3A_33 : vector<16xf32> to vector<16xf32>
        %broadcast_in_dim3A = arith.constant 0.000000e+00 : f32
        %broadcast_in_dim3A_35 = vector.broadcast %broadcast_in_dim3A : f32 to vector<16xf32>
        %slice3A = vector.extract_strided_slice %get3A_34 {offsets = [0], sizes = [1], strides = [1]} : vector<16xf32> to vector<1xf32>
        %squeeze3A = vector.extract %slice3A[0] : f32 from vector<1xf32>
        %mul3A_36 = arith.constant 16 : i32
        %mul3A_37 = arith.muli %scan3A_28, %mul3A_36 : i32
        %get3A_38 = arith.constant 0 : i32
        %get3A_39 = arith.index_cast %get3A_38 : i32 to index
        %get3A_40 = arith.index_cast %mul3A_37 : i32 to index
        %get3A_41 = tpu.vector_load %arg8[%get3A_39, %get3A_40] {strides = array<i32>} : memref<64x1024xf32, #tpu.memory_space<vmem>>, vector<1x16xf32>,
        %get3A_42 = vector.shape_cast %get3A_41 : vector<1x16xf32> to vector<16xf32>
        %mul3A_43 = vector.broadcast %squeeze3A : f32 to vector<16xf32>
        %mul3A_44 = arith.mulf %mul3A_43, %get3A_42 : vector<16xf32>
        %add3A_45 = arith.addf %broadcast_in_dim3A_35, %mul3A_44 : vector<16xf32>
        %slice3A_46 = vector.extract_strided_slice %get3A_34 {offsets = [1], sizes = [1], strides = [1]} : vector<16xf32> to vector<1xf32>
        %squeeze3A_47 = vector.extract %slice3A_46[0] : f32 from vector<1xf32>
        %mul3A_48 = arith.constant 16 : i32
        %mul3A_49 = arith.muli %scan3A_28, %mul3A_48 : i32
        %get3A_50 = arith.constant 1 : i32
        %get3A_51 = arith.index_cast %get3A_50 : i32 to index
        %get3A_52 = arith.index_cast %mul3A_49 : i32 to index
        %get3A_53 = tpu.vector_load %arg8[%get3A_51, %get3A_52] {strides = array<i32>} : memref<64x1024xf32, #tpu.memory_space<vmem>>, vector<1x16xf32>,
        %get3A_54 = vector.shape_cast %get3A_53 : vector<1x16xf32> to vector<16xf32>
        %mul3A_55 = vector.broadcast %squeeze3A_47 : f32 to vector<16xf32>
        %mul3A_56 = arith.mulf %mul3A_55, %get3A_54 : vector<16xf32>
        %add3A_57 = arith.addf %add3A_45, %mul3A_56 : vector<16xf32>
        %slice3A_58 = vector.extract_strided_slice %get3A_34 {offsets = [2], sizes = [1], strides = [1]} : vector<16xf32> to vector<1xf32>
        %squeeze3A_59 = vector.extract %slice3A_58[0] : f32 from vector<1xf32>
        %mul3A_60 = arith.constant 16 : i32
        %mul3A_61 = arith.muli %scan3A_28, %mul3A_60 : i32
        %get3A_62 = arith.constant 2 : i32
        %get3A_63 = arith.index_cast %get3A_62 : i32 to index
        %get3A_64 = arith.index_cast %mul3A_61 : i32 to index
        %get3A_65 = tpu.vector_load %arg8[%get3A_63, %get3A_64] {strides = array<i32>} : memref<64x1024xf32, #tpu.memory_space<vmem>>, vector<1x16xf32>,
        %get3A_66 = vector.shape_cast %get3A_65 : vector<1x16xf32> to vector<16xf32>
        %mul3A_67 = vector.broadcast %squeeze3A_59 : f32 to vector<16xf32>
        %mul3A_68 = arith.mulf %mul3A_67, %get3A_66 : vector<16xf32>
        %add3A_69 = arith.addf %add3A_57, %mul3A_68 : vector<16xf32>
        %slice3A_70 = vector.extract_strided_slice %get3A_34 {offsets = [3], sizes = [1], strides = [1]} : vector<16xf32> to vector<1xf32>
        %squeeze3A_71 = vector.extract %slice3A_70[0] : f32 from vector<1xf32>
        %mul3A_72 = arith.constant 16 : i32
        %mul3A_73 = arith.muli %scan3A_28, %mul3A_72 : i32
        %get3A_74 = arith.constant 3 : i32
        %get3A_75 = arith.index_cast %get3A_74 : i32 to index
        %get3A_76 = arith.index_cast %mul3A_73 : i32 to index
        %get3A_77 = tpu.vector_load %arg8[%get3A_75, %get3A_76] {strides = array<i32>} : memref<64x1024xf32, #tpu.memory_space<vmem>>, vector<1x16xf32>,
        %get3A_78 = vector.shape_cast %get3A_77 : vector<1x16xf32> to vector<16xf32>
        %mul3A_79 = vector.broadcast %squeeze3A_71 : f32 to vector<16xf32>
        %mul3A_80 = arith.mulf %mul3A_79, %get3A_78 : vector<16xf32>
        %add3A_81 = arith.addf %add3A_69, %mul3A_80 : vector<16xf32>
        %slice3A_82 = vector.extract_strided_slice %get3A_34 {offsets = [4], sizes = [1], strides = [1]} : vector<16xf32> to vector<1xf32>
        %squeeze3A_83 = vector.extract %slice3A_82[0] : f32 from vector<1xf32>
        %mul3A_84 = arith.constant 16 : i32
        %mul3A_85 = arith.muli %scan3A_28, %mul3A_84 : i32
        %get3A_86 = arith.constant 4 : i32
        %get3A_87 = arith.index_cast %get3A_86 : i32 to index
        %get3A_88 = arith.index_cast %mul3A_85 : i32 to index
        %get3A_89 = tpu.vector_load %arg8[%get3A_87, %get3A_88] {strides = array<i32>} : memref<64x1024xf32, #tpu.memory_space<vmem>>, vector<1x16xf32>,
        %get3A_90 = vector.shape_cast %get3A_89 : vector<1x16xf32> to vector<16xf32>
        %mul3A_91 = vector.broadcast %squeeze3A_83 : f32 to vector<16xf32>
        %mul3A_92 = arith.mulf %mul3A_91, %get3A_90 : vector<16xf32>
        %add3A_93 = arith.addf %add3A_81, %mul3A_92 : vector<16xf32>
        %slice3A_94 = vector.extract_strided_slice %get3A_34 {offsets = [5], sizes = [1], strides = [1]} : vector<16xf32> to vector<1xf32>
        %squeeze3A_95 = vector.extract %slice3A_94[0] : f32 from vector<1xf32>
        %mul3A_96 = arith.constant 16 : i32
        %mul3A_97 = arith.muli %scan3A_28, %mul3A_96 : i32
        %get3A_98 = arith.constant 5 : i32
        %get3A_99 = arith.index_cast %get3A_98 : i32 to index
        %get3A_100 = arith.index_cast %mul3A_97 : i32 to index
        %get3A_101 = tpu.vector_load %arg8[%get3A_99, %get3A_100] {strides = array<i32>} : memref<64x1024xf32, #tpu.memory_space<vmem>>, vector<1x16xf32>,
        %get3A_102 = vector.shape_cast %get3A_101 : vector<1x16xf32> to vector<16xf32>
        %mul3A_103 = vector.broadcast %squeeze3A_95 : f32 to vector<16xf32>
        %mul3A_104 = arith.mulf %mul3A_103, %get3A_102 : vector<16xf32>
        %add3A_105 = arith.addf %add3A_93, %mul3A_104 : vector<16xf32>
        %slice3A_106 = vector.extract_strided_slice %get3A_34 {offsets = [6], sizes = [1], strides = [1]} : vector<16xf32> to vector<1xf32>
        %squeeze3A_107 = vector.extract %slice3A_106[0] : f32 from vector<1xf32>
        %mul3A_108 = arith.constant 16 : i32
        %mul3A_109 = arith.muli %scan3A_28, %mul3A_108 : i32
        %get3A_110 = arith.constant 6 : i32
        %get3A_111 = arith.index_cast %get3A_110 : i32 to index
        %get3A_112 = arith.index_cast %mul3A_109 : i32 to index
        %get3A_113 = tpu.vector_load %arg8[%get3A_111, %get3A_112] {strides = array<i32>} : memref<64x1024xf32, #tpu.memory_space<vmem>>, vector<1x16xf32>,
        %get3A_114 = vector.shape_cast %get3A_113 : vector<1x16xf32> to vector<16xf32>
        %mul3A_115 = vector.broadcast %squeeze3A_107 : f32 to vector<16xf32>
        %mul3A_116 = arith.mulf %mul3A_115, %get3A_114 : vector<16xf32>
        %add3A_117 = arith.addf %add3A_105, %mul3A_116 : vector<16xf32>
        %slice3A_118 = vector.extract_strided_slice %get3A_34 {offsets = [7], sizes = [1], strides = [1]} : vector<16xf32> to vector<1xf32>
        %squeeze3A_119 = vector.extract %slice3A_118[0] : f32 from vector<1xf32>
        %mul3A_120 = arith.constant 16 : i32
        %mul3A_121 = arith.muli %scan3A_28, %mul3A_120 : i32
        %get3A_122 = arith.constant 7 : i32
        %get3A_123 = arith.index_cast %get3A_122 : i32 to index
        %get3A_124 = arith.index_cast %mul3A_121 : i32 to index
        %get3A_125 = tpu.vector_load %arg8[%get3A_123, %get3A_124] {strides = array<i32>} : memref<64x1024xf32, #tpu.memory_space<vmem>>, vector<1x16xf32>,
        %get3A_126 = vector.shape_cast %get3A_125 : vector<1x16xf32> to vector<16xf32>
        %mul3A_127 = vector.broadcast %squeeze3A_119 : f32 to vector<16xf32>
        %mul3A_128 = arith.mulf %mul3A_127, %get3A_126 : vector<16xf32>
        %add3A_129 = arith.addf %add3A_117, %mul3A_128 : vector<16xf32>
        %mul3A_130 = arith.constant 16 : i32
        %mul3A_131 = arith.muli %scan3A_28, %mul3A_130 : i32
        %swap3A = arith.constant 0 : i32
        %swap3A_132 = arith.index_cast %swap3A : i32 to index
        %swap3A_133 = arith.index_cast %mul3A_131 : i32 to index
        %swap3A_134 = tpu.vector_load %arg9[%swap3A_132, %swap3A_133] {strides = array<i32>} : memref<8x1024xf32, #tpu.memory_space<vmem>>, vector<1x16xf32>,
        %swap3A_135 = vector.shape_cast %swap3A_134 : vector<1x16xf32> to vector<16xf32>
        %swap3A_136 = vector.shape_cast %add3A_129 : vector<16xf32> to vector<1x16xf32>
        tpu.vector_store %arg9[%swap3A_132, %swap3A_133], %swap3A_136 {strides = array<i32>} : memref<8x1024xf32, #tpu.memory_space<vmem>>, vector<1x16xf32>,
        %broadcast_in_dim3A_137 = arith.constant 0.000000e+00 : f32
        %broadcast_in_dim3A_138 = vector.broadcast %broadcast_in_dim3A_137 : f32 to vector<16xf32>
        %slice3A_139 = vector.extract_strided_slice %get3A_34 {offsets = [8], sizes = [1], strides = [1]} : vector<16xf32> to vector<1xf32>
        %squeeze3A_140 = vector.extract %slice3A_139[0] : f32 from vector<1xf32>
        %mul3A_141 = arith.constant 16 : i32
        %mul3A_142 = arith.muli %scan3A_28, %mul3A_141 : i32
        %get3A_143 = arith.constant 8 : i32
        %get3A_144 = arith.index_cast %get3A_143 : i32 to index
        %get3A_145 = arith.index_cast %mul3A_142 : i32 to index
        %get3A_146 = tpu.vector_load %arg8[%get3A_144, %get3A_145] {strides = array<i32>} : memref<64x1024xf32, #tpu.memory_space<vmem>>, vector<1x16xf32>,
        %get3A_147 = vector.shape_cast %get3A_146 : vector<1x16xf32> to vector<16xf32>
        %mul3A_148 = vector.broadcast %squeeze3A_140 : f32 to vector<16xf32>
        %mul3A_149 = arith.mulf %mul3A_148, %get3A_147 : vector<16xf32>
        %add3A_150 = arith.addf %broadcast_in_dim3A_138, %mul3A_149 : vector<16xf32>
        %slice3A_151 = vector.extract_strided_slice %get3A_34 {offsets = [9], sizes = [1], strides = [1]} : vector<16xf32> to vector<1xf32>
        %squeeze3A_152 = vector.extract %slice3A_151[0] : f32 from vector<1xf32>
        %mul3A_153 = arith.constant 16 : i32
        %mul3A_154 = arith.muli %scan3A_28, %mul3A_153 : i32
        %get3A_155 = arith.constant 9 : i32
        %get3A_156 = arith.index_cast %get3A_155 : i32 to index
        %get3A_157 = arith.index_cast %mul3A_154 : i32 to index
        %get3A_158 = tpu.vector_load %arg8[%get3A_156, %get3A_157] {strides = array<i32>} : memref<64x1024xf32, #tpu.memory_space<vmem>>, vector<1x16xf32>,
        %get3A_159 = vector.shape_cast %get3A_158 : vector<1x16xf32> to vector<16xf32>
        %mul3A_160 = vector.broadcast %squeeze3A_152 : f32 to vector<16xf32>
        %mul3A_161 = arith.mulf %mul3A_160, %get3A_159 : vector<16xf32>
        %add3A_162 = arith.addf %add3A_150, %mul3A_161 : vector<16xf32>
        %slice3A_163 = vector.extract_strided_slice %get3A_34 {offsets = [10], sizes = [1], strides = [1]} : vector<16xf32> to vector<1xf32>
        %squeeze3A_164 = vector.extract %slice3A_163[0] : f32 from vector<1xf32>
        %mul3A_165 = arith.constant 16 : i32
        %mul3A_166 = arith.muli %scan3A_28, %mul3A_165 : i32
        %get3A_167 = arith.constant 10 : i32
        %get3A_168 = arith.index_cast %get3A_167 : i32 to index
        %get3A_169 = arith.index_cast %mul3A_166 : i32 to index
        %get3A_170 = tpu.vector_load %arg8[%get3A_168, %get3A_169] {strides = array<i32>} : memref<64x1024xf32, #tpu.memory_space<vmem>>, vector<1x16xf32>,
        %get3A_171 = vector.shape_cast %get3A_170 : vector<1x16xf32> to vector<16xf32>
        %mul3A_172 = vector.broadcast %squeeze3A_164 : f32 to vector<16xf32>
        %mul3A_173 = arith.mulf %mul3A_172, %get3A_171 : vector<16xf32>
        %add3A_174 = arith.addf %add3A_162, %mul3A_173 : vector<16xf32>
        %slice3A_175 = vector.extract_strided_slice %get3A_34 {offsets = [11], sizes = [1], strides = [1]} : vector<16xf32> to vector<1xf32>
        %squeeze3A_176 = vector.extract %slice3A_175[0] : f32 from vector<1xf32>
        %mul3A_177 = arith.constant 16 : i32
        %mul3A_178 = arith.muli %scan3A_28, %mul3A_177 : i32
        %get3A_179 = arith.constant 11 : i32
        %get3A_180 = arith.index_cast %get3A_179 : i32 to index
        %get3A_181 = arith.index_cast %mul3A_178 : i32 to index
        %get3A_182 = tpu.vector_load %arg8[%get3A_180, %get3A_181] {strides = array<i32>} : memref<64x1024xf32, #tpu.memory_space<vmem>>, vector<1x16xf32>,
        %get3A_183 = vector.shape_cast %get3A_182 : vector<1x16xf32> to vector<16xf32>
        %mul3A_184 = vector.broadcast %squeeze3A_176 : f32 to vector<16xf32>
        %mul3A_185 = arith.mulf %mul3A_184, %get3A_183 : vector<16xf32>
        %add3A_186 = arith.addf %add3A_174, %mul3A_185 : vector<16xf32>
        %slice3A_187 = vector.extract_strided_slice %get3A_34 {offsets = [12], sizes = [1], strides = [1]} : vector<16xf32> to vector<1xf32>
        %squeeze3A_188 = vector.extract %slice3A_187[0] : f32 from vector<1xf32>
        %mul3A_189 = arith.constant 16 : i32
        %mul3A_190 = arith.muli %scan3A_28, %mul3A_189 : i32
        %get3A_191 = arith.constant 12 : i32
        %get3A_192 = arith.index_cast %get3A_191 : i32 to index
        %get3A_193 = arith.index_cast %mul3A_190 : i32 to index
        %get3A_194 = tpu.vector_load %arg8[%get3A_192, %get3A_193] {strides = array<i32>} : memref<64x1024xf32, #tpu.memory_space<vmem>>, vector<1x16xf32>,
        %get3A_195 = vector.shape_cast %get3A_194 : vector<1x16xf32> to vector<16xf32>
        %mul3A_196 = vector.broadcast %squeeze3A_188 : f32 to vector<16xf32>
        %mul3A_197 = arith.mulf %mul3A_196, %get3A_195 : vector<16xf32>
        %add3A_198 = arith.addf %add3A_186, %mul3A_197 : vector<16xf32>
        %slice3A_199 = vector.extract_strided_slice %get3A_34 {offsets = [13], sizes = [1], strides = [1]} : vector<16xf32> to vector<1xf32>
        %squeeze3A_200 = vector.extract %slice3A_199[0] : f32 from vector<1xf32>
        %mul3A_201 = arith.constant 16 : i32
        %mul3A_202 = arith.muli %scan3A_28, %mul3A_201 : i32
        %get3A_203 = arith.constant 13 : i32
        %get3A_204 = arith.index_cast %get3A_203 : i32 to index
        %get3A_205 = arith.index_cast %mul3A_202 : i32 to index
        %get3A_206 = tpu.vector_load %arg8[%get3A_204, %get3A_205] {strides = array<i32>} : memref<64x1024xf32, #tpu.memory_space<vmem>>, vector<1x16xf32>,
        %get3A_207 = vector.shape_cast %get3A_206 : vector<1x16xf32> to vector<16xf32>
        %mul3A_208 = vector.broadcast %squeeze3A_200 : f32 to vector<16xf32>
        %mul3A_209 = arith.mulf %mul3A_208, %get3A_207 : vector<16xf32>
        %add3A_210 = arith.addf %add3A_198, %mul3A_209 : vector<16xf32>
        %slice3A_211 = vector.extract_strided_slice %get3A_34 {offsets = [14], sizes = [1], strides = [1]} : vector<16xf32> to vector<1xf32>
        %squeeze3A_212 = vector.extract %slice3A_211[0] : f32 from vector<1xf32>
        %mul3A_213 = arith.constant 16 : i32
        %mul3A_214 = arith.muli %scan3A_28, %mul3A_213 : i32
        %get3A_215 = arith.constant 14 : i32
        %get3A_216 = arith.index_cast %get3A_215 : i32 to index
        %get3A_217 = arith.index_cast %mul3A_214 : i32 to index
        %get3A_218 = tpu.vector_load %arg8[%get3A_216, %get3A_217] {strides = array<i32>} : memref<64x1024xf32, #tpu.memory_space<vmem>>, vector<1x16xf32>,
        %get3A_219 = vector.shape_cast %get3A_218 : vector<1x16xf32> to vector<16xf32>
        %mul3A_220 = vector.broadcast %squeeze3A_212 : f32 to vector<16xf32>
        %mul3A_221 = arith.mulf %mul3A_220, %get3A_219 : vector<16xf32>
        %add3A_222 = arith.addf %add3A_210, %mul3A_221 : vector<16xf32>
        %slice3A_223 = vector.extract_strided_slice %get3A_34 {offsets = [15], sizes = [1], strides = [1]} : vector<16xf32> to vector<1xf32>
        %squeeze3A_224 = vector.extract %slice3A_223[0] : f32 from vector<1xf32>
        %mul3A_225 = arith.constant 16 : i32
        %mul3A_226 = arith.muli %scan3A_28, %mul3A_225 : i32
        %get3A_227 = arith.constant 15 : i32
        %get3A_228 = arith.index_cast %get3A_227 : i32 to index
        %get3A_229 = arith.index_cast %mul3A_226 : i32 to index
        %get3A_230 = tpu.vector_load %arg8[%get3A_228, %get3A_229] {strides = array<i32>} : memref<64x1024xf32, #tpu.memory_space<vmem>>, vector<1x16xf32>,
        %get3A_231 = vector.shape_cast %get3A_230 : vector<1x16xf32> to vector<16xf32>
        %mul3A_232 = vector.broadcast %squeeze3A_224 : f32 to vector<16xf32>
        %mul3A_233 = arith.mulf %mul3A_232, %get3A_231 : vector<16xf32>
        %add3A_234 = arith.addf %add3A_222, %mul3A_233 : vector<16xf32>
        %mul3A_235 = arith.constant 16 : i32
        %mul3A_236 = arith.muli %scan3A_28, %mul3A_235 : i32
        %swap3A_237 = arith.constant 1 : i32
        %swap3A_238 = arith.index_cast %swap3A_237 : i32 to index
        %swap3A_239 = arith.index_cast %mul3A_236 : i32 to index
        %swap3A_240 = tpu.vector_load %arg9[%swap3A_238, %swap3A_239] {strides = array<i32>} : memref<8x1024xf32, #tpu.memory_space<vmem>>, vector<1x16xf32>,
        %swap3A_241 = vector.shape_cast %swap3A_240 : vector<1x16xf32> to vector<16xf32>
        %swap3A_242 = vector.shape_cast %add3A_234 : vector<16xf32> to vector<1x16xf32>
        tpu.vector_store %arg9[%swap3A_238, %swap3A_239], %swap3A_242 {strides = array<i32>} : memref<8x1024xf32, #tpu.memory_space<vmem>>, vector<1x16xf32>,
        %mul3A_243 = arith.constant 64 : i32
        %mul3A_244 = arith.muli %scan3A_10, %mul3A_243 : i32
        %add3A_245 = arith.constant 16 : i32
        %add3A_246 = arith.addi %mul3A_244, %add3A_245 : i32
        %get3A_247 = arith.index_cast %add3A_246 : i32 to index
        %get3A_248 = tpu.vector_load %arg7[%get3A_247] {strides = array<i32>} : memref<2048xf32, #tpu.memory_space<vmem>>, vector<16xf32>,
        %get3A_249 = vector.shape_cast %get3A_248 : vector<16xf32> to vector<16xf32>
        %broadcast_in_dim3A_250 = arith.constant 0.000000e+00 : f32
        %broadcast_in_dim3A_251 = vector.broadcast %broadcast_in_dim3A_250 : f32 to vector<16xf32>
        %slice3A_252 = vector.extract_strided_slice %get3A_249 {offsets = [0], sizes = [1], strides = [1]} : vector<16xf32> to vector<1xf32>
        %squeeze3A_253 = vector.extract %slice3A_252[0] : f32 from vector<1xf32>
        %mul3A_254 = arith.constant 16 : i32
        %mul3A_255 = arith.muli %scan3A_28, %mul3A_254 : i32
        %get3A_256 = arith.constant 16 : i32
        %get3A_257 = arith.index_cast %get3A_256 : i32 to index
        %get3A_258 = arith.index_cast %mul3A_255 : i32 to index
        %get3A_259 = tpu.vector_load %arg8[%get3A_257, %get3A_258] {strides = array<i32>} : memref<64x1024xf32, #tpu.memory_space<vmem>>, vector<1x16xf32>,
        %get3A_260 = vector.shape_cast %get3A_259 : vector<1x16xf32> to vector<16xf32>
        %mul3A_261 = vector.broadcast %squeeze3A_253 : f32 to vector<16xf32>
        %mul3A_262 = arith.mulf %mul3A_261, %get3A_260 : vector<16xf32>
        %add3A_263 = arith.addf %broadcast_in_dim3A_251, %mul3A_262 : vector<16xf32>
        %slice3A_264 = vector.extract_strided_slice %get3A_249 {offsets = [1], sizes = [1], strides = [1]} : vector<16xf32> to vector<1xf32>
        %squeeze3A_265 = vector.extract %slice3A_264[0] : f32 from vector<1xf32>
        %mul3A_266 = arith.constant 16 : i32
        %mul3A_267 = arith.muli %scan3A_28, %mul3A_266 : i32
        %get3A_268 = arith.constant 17 : i32
        %get3A_269 = arith.index_cast %get3A_268 : i32 to index
        %get3A_270 = arith.index_cast %mul3A_267 : i32 to index
        %get3A_271 = tpu.vector_load %arg8[%get3A_269, %get3A_270] {strides = array<i32>} : memref<64x1024xf32, #tpu.memory_space<vmem>>, vector<1x16xf32>,
        %get3A_272 = vector.shape_cast %get3A_271 : vector<1x16xf32> to vector<16xf32>
        %mul3A_273 = vector.broadcast %squeeze3A_265 : f32 to vector<16xf32>
        %mul3A_274 = arith.mulf %mul3A_273, %get3A_272 : vector<16xf32>
        %add3A_275 = arith.addf %add3A_263, %mul3A_274 : vector<16xf32>
        %slice3A_276 = vector.extract_strided_slice %get3A_249 {offsets = [2], sizes = [1], strides = [1]} : vector<16xf32> to vector<1xf32>
        %squeeze3A_277 = vector.extract %slice3A_276[0] : f32 from vector<1xf32>
        %mul3A_278 = arith.constant 16 : i32
        %mul3A_279 = arith.muli %scan3A_28, %mul3A_278 : i32
        %get3A_280 = arith.constant 18 : i32
        %get3A_281 = arith.index_cast %get3A_280 : i32 to index
        %get3A_282 = arith.index_cast %mul3A_279 : i32 to index
        %get3A_283 = tpu.vector_load %arg8[%get3A_281, %get3A_282] {strides = array<i32>} : memref<64x1024xf32, #tpu.memory_space<vmem>>, vector<1x16xf32>,
        %get3A_284 = vector.shape_cast %get3A_283 : vector<1x16xf32> to vector<16xf32>
        %mul3A_285 = vector.broadcast %squeeze3A_277 : f32 to vector<16xf32>
        %mul3A_286 = arith.mulf %mul3A_285, %get3A_284 : vector<16xf32>
        %add3A_287 = arith.addf %add3A_275, %mul3A_286 : vector<16xf32>
        %slice3A_288 = vector.extract_strided_slice %get3A_249 {offsets = [3], sizes = [1], strides = [1]} : vector<16xf32> to vector<1xf32>
        %squeeze3A_289 = vector.extract %slice3A_288[0] : f32 from vector<1xf32>
        %mul3A_290 = arith.constant 16 : i32
        %mul3A_291 = arith.muli %scan3A_28, %mul3A_290 : i32
        %get3A_292 = arith.constant 19 : i32
        %get3A_293 = arith.index_cast %get3A_292 : i32 to index
        %get3A_294 = arith.index_cast %mul3A_291 : i32 to index
        %get3A_295 = tpu.vector_load %arg8[%get3A_293, %get3A_294] {strides = array<i32>} : memref<64x1024xf32, #tpu.memory_space<vmem>>, vector<1x16xf32>,
        %get3A_296 = vector.shape_cast %get3A_295 : vector<1x16xf32> to vector<16xf32>
        %mul3A_297 = vector.broadcast %squeeze3A_289 : f32 to vector<16xf32>
        %mul3A_298 = arith.mulf %mul3A_297, %get3A_296 : vector<16xf32>
        %add3A_299 = arith.addf %add3A_287, %mul3A_298 : vector<16xf32>
        %slice3A_300 = vector.extract_strided_slice %get3A_249 {offsets = [4], sizes = [1], strides = [1]} : vector<16xf32> to vector<1xf32>
        %squeeze3A_301 = vector.extract %slice3A_300[0] : f32 from vector<1xf32>
        %mul3A_302 = arith.constant 16 : i32
        %mul3A_303 = arith.muli %scan3A_28, %mul3A_302 : i32
        %get3A_304 = arith.constant 20 : i32
        %get3A_305 = arith.index_cast %get3A_304 : i32 to index
        %get3A_306 = arith.index_cast %mul3A_303 : i32 to index
        %get3A_307 = tpu.vector_load %arg8[%get3A_305, %get3A_306] {strides = array<i32>} : memref<64x1024xf32, #tpu.memory_space<vmem>>, vector<1x16xf32>,
        %get3A_308 = vector.shape_cast %get3A_307 : vector<1x16xf32> to vector<16xf32>
        %mul3A_309 = vector.broadcast %squeeze3A_301 : f32 to vector<16xf32>
        %mul3A_310 = arith.mulf %mul3A_309, %get3A_308 : vector<16xf32>
        %add3A_311 = arith.addf %add3A_299, %mul3A_310 : vector<16xf32>
        %slice3A_312 = vector.extract_strided_slice %get3A_249 {offsets = [5], sizes = [1], strides = [1]} : vector<16xf32> to vector<1xf32>
        %squeeze3A_313 = vector.extract %slice3A_312[0] : f32 from vector<1xf32>
        %mul3A_314 = arith.constant 16 : i32
        %mul3A_315 = arith.muli %scan3A_28, %mul3A_314 : i32
        %get3A_316 = arith.constant 21 : i32
        %get3A_317 = arith.index_cast %get3A_316 : i32 to index
        %get3A_318 = arith.index_cast %mul3A_315 : i32 to index
        %get3A_319 = tpu.vector_load %arg8[%get3A_317, %get3A_318] {strides = array<i32>} : memref<64x1024xf32, #tpu.memory_space<vmem>>, vector<1x16xf32>,
        %get3A_320 = vector.shape_cast %get3A_319 : vector<1x16xf32> to vector<16xf32>
        %mul3A_321 = vector.broadcast %squeeze3A_313 : f32 to vector<16xf32>
        %mul3A_322 = arith.mulf %mul3A_321, %get3A_320 : vector<16xf32>
        %add3A_323 = arith.addf %add3A_311, %mul3A_322 : vector<16xf32>
        %slice3A_324 = vector.extract_strided_slice %get3A_249 {offsets = [6], sizes = [1], strides = [1]} : vector<16xf32> to vector<1xf32>
        %squeeze3A_325 = vector.extract %slice3A_324[0] : f32 from vector<1xf32>
        %mul3A_326 = arith.constant 16 : i32
        %mul3A_327 = arith.muli %scan3A_28, %mul3A_326 : i32
        %get3A_328 = arith.constant 22 : i32
        %get3A_329 = arith.index_cast %get3A_328 : i32 to index
        %get3A_330 = arith.index_cast %mul3A_327 : i32 to index
        %get3A_331 = tpu.vector_load %arg8[%get3A_329, %get3A_330] {strides = array<i32>} : memref<64x1024xf32, #tpu.memory_space<vmem>>, vector<1x16xf32>,
        %get3A_332 = vector.shape_cast %get3A_331 : vector<1x16xf32> to vector<16xf32>
        %mul3A_333 = vector.broadcast %squeeze3A_325 : f32 to vector<16xf32>
        %mul3A_334 = arith.mulf %mul3A_333, %get3A_332 : vector<16xf32>
        %add3A_335 = arith.addf %add3A_323, %mul3A_334 : vector<16xf32>
        %slice3A_336 = vector.extract_strided_slice %get3A_249 {offsets = [7], sizes = [1], strides = [1]} : vector<16xf32> to vector<1xf32>
        %squeeze3A_337 = vector.extract %slice3A_336[0] : f32 from vector<1xf32>
        %mul3A_338 = arith.constant 16 : i32
        %mul3A_339 = arith.muli %scan3A_28, %mul3A_338 : i32
        %get3A_340 = arith.constant 23 : i32
        %get3A_341 = arith.index_cast %get3A_340 : i32 to index
        %get3A_342 = arith.index_cast %mul3A_339 : i32 to index
        %get3A_343 = tpu.vector_load %arg8[%get3A_341, %get3A_342] {strides = array<i32>} : memref<64x1024xf32, #tpu.memory_space<vmem>>, vector<1x16xf32>,
        %get3A_344 = vector.shape_cast %get3A_343 : vector<1x16xf32> to vector<16xf32>
        %mul3A_345 = vector.broadcast %squeeze3A_337 : f32 to vector<16xf32>
        %mul3A_346 = arith.mulf %mul3A_345, %get3A_344 : vector<16xf32>
        %add3A_347 = arith.addf %add3A_335, %mul3A_346 : vector<16xf32>
        %mul3A_348 = arith.constant 16 : i32
        %mul3A_349 = arith.muli %scan3A_28, %mul3A_348 : i32
        %swap3A_350 = arith.constant 2 : i32
        %swap3A_351 = arith.index_cast %swap3A_350 : i32 to index
        %swap3A_352 = arith.index_cast %mul3A_349 : i32 to index
        %swap3A_353 = tpu.vector_load %arg9[%swap3A_351, %swap3A_352] {strides = array<i32>} : memref<8x1024xf32, #tpu.memory_space<vmem>>, vector<1x16xf32>,
        %swap3A_354 = vector.shape_cast %swap3A_353 : vector<1x16xf32> to vector<16xf32>
        %swap3A_355 = vector.shape_cast %add3A_347 : vector<16xf32> to vector<1x16xf32>
        tpu.vector_store %arg9[%swap3A_351, %swap3A_352], %swap3A_355 {strides = array<i32>} : memref<8x1024xf32, #tpu.memory_space<vmem>>, vector<1x16xf32>,
        %broadcast_in_dim3A_356 = arith.constant 0.000000e+00 : f32
        %broadcast_in_dim3A_357 = vector.broadcast %broadcast_in_dim3A_356 : f32 to vector<16xf32>
        %slice3A_358 = vector.extract_strided_slice %get3A_249 {offsets = [8], sizes = [1], strides = [1]} : vector<16xf32> to vector<1xf32>
        %squeeze3A_359 = vector.extract %slice3A_358[0] : f32 from vector<1xf32>
        %mul3A_360 = arith.constant 16 : i32
        %mul3A_361 = arith.muli %scan3A_28, %mul3A_360 : i32
        %get3A_362 = arith.constant 24 : i32
        %get3A_363 = arith.index_cast %get3A_362 : i32 to index
        %get3A_364 = arith.index_cast %mul3A_361 : i32 to index
        %get3A_365 = tpu.vector_load %arg8[%get3A_363, %get3A_364] {strides = array<i32>} : memref<64x1024xf32, #tpu.memory_space<vmem>>, vector<1x16xf32>,
        %get3A_366 = vector.shape_cast %get3A_365 : vector<1x16xf32> to vector<16xf32>
        %mul3A_367 = vector.broadcast %squeeze3A_359 : f32 to vector<16xf32>
        %mul3A_368 = arith.mulf %mul3A_367, %get3A_366 : vector<16xf32>
        %add3A_369 = arith.addf %broadcast_in_dim3A_357, %mul3A_368 : vector<16xf32>
        %slice3A_370 = vector.extract_strided_slice %get3A_249 {offsets = [9], sizes = [1], strides = [1]} : vector<16xf32> to vector<1xf32>
        %squeeze3A_371 = vector.extract %slice3A_370[0] : f32 from vector<1xf32>
        %mul3A_372 = arith.constant 16 : i32
        %mul3A_373 = arith.muli %scan3A_28, %mul3A_372 : i32
        %get3A_374 = arith.constant 25 : i32
        %get3A_375 = arith.index_cast %get3A_374 : i32 to index
        %get3A_376 = arith.index_cast %mul3A_373 : i32 to index
        %get3A_377 = tpu.vector_load %arg8[%get3A_375, %get3A_376] {strides = array<i32>} : memref<64x1024xf32, #tpu.memory_space<vmem>>, vector<1x16xf32>,
        %get3A_378 = vector.shape_cast %get3A_377 : vector<1x16xf32> to vector<16xf32>
        %mul3A_379 = vector.broadcast %squeeze3A_371 : f32 to vector<16xf32>
        %mul3A_380 = arith.mulf %mul3A_379, %get3A_378 : vector<16xf32>
        %add3A_381 = arith.addf %add3A_369, %mul3A_380 : vector<16xf32>
        %slice3A_382 = vector.extract_strided_slice %get3A_249 {offsets = [10], sizes = [1], strides = [1]} : vector<16xf32> to vector<1xf32>
        %squeeze3A_383 = vector.extract %slice3A_382[0] : f32 from vector<1xf32>
        %mul3A_384 = arith.constant 16 : i32
        %mul3A_385 = arith.muli %scan3A_28, %mul3A_384 : i32
        %get3A_386 = arith.constant 26 : i32
        %get3A_387 = arith.index_cast %get3A_386 : i32 to index
        %get3A_388 = arith.index_cast %mul3A_385 : i32 to index
        %get3A_389 = tpu.vector_load %arg8[%get3A_387, %get3A_388] {strides = array<i32>} : memref<64x1024xf32, #tpu.memory_space<vmem>>, vector<1x16xf32>,
        %get3A_390 = vector.shape_cast %get3A_389 : vector<1x16xf32> to vector<16xf32>
        %mul3A_391 = vector.broadcast %squeeze3A_383 : f32 to vector<16xf32>
        %mul3A_392 = arith.mulf %mul3A_391, %get3A_390 : vector<16xf32>
        %add3A_393 = arith.addf %add3A_381, %mul3A_392 : vector<16xf32>
        %slice3A_394 = vector.extract_strided_slice %get3A_249 {offsets = [11], sizes = [1], strides = [1]} : vector<16xf32> to vector<1xf32>
        %squeeze3A_395 = vector.extract %slice3A_394[0] : f32 from vector<1xf32>
        %mul3A_396 = arith.constant 16 : i32
        %mul3A_397 = arith.muli %scan3A_28, %mul3A_396 : i32
        %get3A_398 = arith.constant 27 : i32
        %get3A_399 = arith.index_cast %get3A_398 : i32 to index
        %get3A_400 = arith.index_cast %mul3A_397 : i32 to index
        %get3A_401 = tpu.vector_load %arg8[%get3A_399, %get3A_400] {strides = array<i32>} : memref<64x1024xf32, #tpu.memory_space<vmem>>, vector<1x16xf32>,
        %get3A_402 = vector.shape_cast %get3A_401 : vector<1x16xf32> to vector<16xf32>
        %mul3A_403 = vector.broadcast %squeeze3A_395 : f32 to vector<16xf32>
        %mul3A_404 = arith.mulf %mul3A_403, %get3A_402 : vector<16xf32>
        %add3A_405 = arith.addf %add3A_393, %mul3A_404 : vector<16xf32>
        %slice3A_406 = vector.extract_strided_slice %get3A_249 {offsets = [12], sizes = [1], strides = [1]} : vector<16xf32> to vector<1xf32>
        %squeeze3A_407 = vector.extract %slice3A_406[0] : f32 from vector<1xf32>
        %mul3A_408 = arith.constant 16 : i32
        %mul3A_409 = arith.muli %scan3A_28, %mul3A_408 : i32
        %get3A_410 = arith.constant 28 : i32
        %get3A_411 = arith.index_cast %get3A_410 : i32 to index
        %get3A_412 = arith.index_cast %mul3A_409 : i32 to index
        %get3A_413 = tpu.vector_load %arg8[%get3A_411, %get3A_412] {strides = array<i32>} : memref<64x1024xf32, #tpu.memory_space<vmem>>, vector<1x16xf32>,
        %get3A_414 = vector.shape_cast %get3A_413 : vector<1x16xf32> to vector<16xf32>
        %mul3A_415 = vector.broadcast %squeeze3A_407 : f32 to vector<16xf32>
        %mul3A_416 = arith.mulf %mul3A_415, %get3A_414 : vector<16xf32>
        %add3A_417 = arith.addf %add3A_405, %mul3A_416 : vector<16xf32>
        %slice3A_418 = vector.extract_strided_slice %get3A_249 {offsets = [13], sizes = [1], strides = [1]} : vector<16xf32> to vector<1xf32>
        %squeeze3A_419 = vector.extract %slice3A_418[0] : f32 from vector<1xf32>
        %mul3A_420 = arith.constant 16 : i32
        %mul3A_421 = arith.muli %scan3A_28, %mul3A_420 : i32
        %get3A_422 = arith.constant 29 : i32
        %get3A_423 = arith.index_cast %get3A_422 : i32 to index
        %get3A_424 = arith.index_cast %mul3A_421 : i32 to index
        %get3A_425 = tpu.vector_load %arg8[%get3A_423, %get3A_424] {strides = array<i32>} : memref<64x1024xf32, #tpu.memory_space<vmem>>, vector<1x16xf32>,
        %get3A_426 = vector.shape_cast %get3A_425 : vector<1x16xf32> to vector<16xf32>
        %mul3A_427 = vector.broadcast %squeeze3A_419 : f32 to vector<16xf32>
        %mul3A_428 = arith.mulf %mul3A_427, %get3A_426 : vector<16xf32>
        %add3A_429 = arith.addf %add3A_417, %mul3A_428 : vector<16xf32>
        %slice3A_430 = vector.extract_strided_slice %get3A_249 {offsets = [14], sizes = [1], strides = [1]} : vector<16xf32> to vector<1xf32>
        %squeeze3A_431 = vector.extract %slice3A_430[0] : f32 from vector<1xf32>
        %mul3A_432 = arith.constant 16 : i32
        %mul3A_433 = arith.muli %scan3A_28, %mul3A_432 : i32
        %get3A_434 = arith.constant 30 : i32
        %get3A_435 = arith.index_cast %get3A_434 : i32 to index
        %get3A_436 = arith.index_cast %mul3A_433 : i32 to index
        %get3A_437 = tpu.vector_load %arg8[%get3A_435, %get3A_436] {strides = array<i32>} : memref<64x1024xf32, #tpu.memory_space<vmem>>, vector<1x16xf32>,
        %get3A_438 = vector.shape_cast %get3A_437 : vector<1x16xf32> to vector<16xf32>
        %mul3A_439 = vector.broadcast %squeeze3A_431 : f32 to vector<16xf32>
        %mul3A_440 = arith.mulf %mul3A_439, %get3A_438 : vector<16xf32>
        %add3A_441 = arith.addf %add3A_429, %mul3A_440 : vector<16xf32>
        %slice3A_442 = vector.extract_strided_slice %get3A_249 {offsets = [15], sizes = [1], strides = [1]} : vector<16xf32> to vector<1xf32>
        %squeeze3A_443 = vector.extract %slice3A_442[0] : f32 from vector<1xf32>
        %mul3A_444 = arith.constant 16 : i32
        %mul3A_445 = arith.muli %scan3A_28, %mul3A_444 : i32
        %get3A_446 = arith.constant 31 : i32
        %get3A_447 = arith.index_cast %get3A_446 : i32 to index
        %get3A_448 = arith.index_cast %mul3A_445 : i32 to index
        %get3A_449 = tpu.vector_load %arg8[%get3A_447, %get3A_448] {strides = array<i32>} : memref<64x1024xf32, #tpu.memory_space<vmem>>, vector<1x16xf32>,
        %get3A_450 = vector.shape_cast %get3A_449 : vector<1x16xf32> to vector<16xf32>
        %mul3A_451 = vector.broadcast %squeeze3A_443 : f32 to vector<16xf32>
        %mul3A_452 = arith.mulf %mul3A_451, %get3A_450 : vector<16xf32>
        %add3A_453 = arith.addf %add3A_441, %mul3A_452 : vector<16xf32>
        %mul3A_454 = arith.constant 16 : i32
        %mul3A_455 = arith.muli %scan3A_28, %mul3A_454 : i32
        %swap3A_456 = arith.constant 3 : i32
        %swap3A_457 = arith.index_cast %swap3A_456 : i32 to index
        %swap3A_458 = arith.index_cast %mul3A_455 : i32 to index
        %swap3A_459 = tpu.vector_load %arg9[%swap3A_457, %swap3A_458] {strides = array<i32>} : memref<8x1024xf32, #tpu.memory_space<vmem>>, vector<1x16xf32>,
        %swap3A_460 = vector.shape_cast %swap3A_459 : vector<1x16xf32> to vector<16xf32>
        %swap3A_461 = vector.shape_cast %add3A_453 : vector<16xf32> to vector<1x16xf32>
        tpu.vector_store %arg9[%swap3A_457, %swap3A_458], %swap3A_461 {strides = array<i32>} : memref<8x1024xf32, #tpu.memory_space<vmem>>, vector<1x16xf32>,
        %mul3A_462 = arith.constant 64 : i32
        %mul3A_463 = arith.muli %scan3A_10, %mul3A_462 : i32
        %add3A_464 = arith.constant 32 : i32
        %add3A_465 = arith.addi %mul3A_463, %add3A_464 : i32
        %get3A_466 = arith.index_cast %add3A_465 : i32 to index
        %get3A_467 = tpu.vector_load %arg7[%get3A_466] {strides = array<i32>} : memref<2048xf32, #tpu.memory_space<vmem>>, vector<16xf32>,
        %get3A_468 = vector.shape_cast %get3A_467 : vector<16xf32> to vector<16xf32>
        %broadcast_in_dim3A_469 = arith.constant 0.000000e+00 : f32
        %broadcast_in_dim3A_470 = vector.broadcast %broadcast_in_dim3A_469 : f32 to vector<16xf32>
        %slice3A_471 = vector.extract_strided_slice %get3A_468 {offsets = [0], sizes = [1], strides = [1]} : vector<16xf32> to vector<1xf32>
        %squeeze3A_472 = vector.extract %slice3A_471[0] : f32 from vector<1xf32>
        %mul3A_473 = arith.constant 16 : i32
        %mul3A_474 = arith.muli %scan3A_28, %mul3A_473 : i32
        %get3A_475 = arith.constant 32 : i32
        %get3A_476 = arith.index_cast %get3A_475 : i32 to index
        %get3A_477 = arith.index_cast %mul3A_474 : i32 to index
        %get3A_478 = tpu.vector_load %arg8[%get3A_476, %get3A_477] {strides = array<i32>} : memref<64x1024xf32, #tpu.memory_space<vmem>>, vector<1x16xf32>,
        %get3A_479 = vector.shape_cast %get3A_478 : vector<1x16xf32> to vector<16xf32>
        %mul3A_480 = vector.broadcast %squeeze3A_472 : f32 to vector<16xf32>
        %mul3A_481 = arith.mulf %mul3A_480, %get3A_479 : vector<16xf32>
        %add3A_482 = arith.addf %broadcast_in_dim3A_470, %mul3A_481 : vector<16xf32>
        %slice3A_483 = vector.extract_strided_slice %get3A_468 {offsets = [1], sizes = [1], strides = [1]} : vector<16xf32> to vector<1xf32>
        %squeeze3A_484 = vector.extract %slice3A_483[0] : f32 from vector<1xf32>
        %mul3A_485 = arith.constant 16 : i32
        %mul3A_486 = arith.muli %scan3A_28, %mul3A_485 : i32
        %get3A_487 = arith.constant 33 : i32
        %get3A_488 = arith.index_cast %get3A_487 : i32 to index
        %get3A_489 = arith.index_cast %mul3A_486 : i32 to index
        %get3A_490 = tpu.vector_load %arg8[%get3A_488, %get3A_489] {strides = array<i32>} : memref<64x1024xf32, #tpu.memory_space<vmem>>, vector<1x16xf32>,
        %get3A_491 = vector.shape_cast %get3A_490 : vector<1x16xf32> to vector<16xf32>
        %mul3A_492 = vector.broadcast %squeeze3A_484 : f32 to vector<16xf32>
        %mul3A_493 = arith.mulf %mul3A_492, %get3A_491 : vector<16xf32>
        %add3A_494 = arith.addf %add3A_482, %mul3A_493 : vector<16xf32>
        %slice3A_495 = vector.extract_strided_slice %get3A_468 {offsets = [2], sizes = [1], strides = [1]} : vector<16xf32> to vector<1xf32>
        %squeeze3A_496 = vector.extract %slice3A_495[0] : f32 from vector<1xf32>
        %mul3A_497 = arith.constant 16 : i32
        %mul3A_498 = arith.muli %scan3A_28, %mul3A_497 : i32
        %get3A_499 = arith.constant 34 : i32
        %get3A_500 = arith.index_cast %get3A_499 : i32 to index
        %get3A_501 = arith.index_cast %mul3A_498 : i32 to index
        %get3A_502 = tpu.vector_load %arg8[%get3A_500, %get3A_501] {strides = array<i32>} : memref<64x1024xf32, #tpu.memory_space<vmem>>, vector<1x16xf32>,
        %get3A_503 = vector.shape_cast %get3A_502 : vector<1x16xf32> to vector<16xf32>
        %mul3A_504 = vector.broadcast %squeeze3A_496 : f32 to vector<16xf32>
        %mul3A_505 = arith.mulf %mul3A_504, %get3A_503 : vector<16xf32>
        %add3A_506 = arith.addf %add3A_494, %mul3A_505 : vector<16xf32>
        %slice3A_507 = vector.extract_strided_slice %get3A_468 {offsets = [3], sizes = [1], strides = [1]} : vector<16xf32> to vector<1xf32>
        %squeeze3A_508 = vector.extract %slice3A_507[0] : f32 from vector<1xf32>
        %mul3A_509 = arith.constant 16 : i32
        %mul3A_510 = arith.muli %scan3A_28, %mul3A_509 : i32
        %get3A_511 = arith.constant 35 : i32
        %get3A_512 = arith.index_cast %get3A_511 : i32 to index
        %get3A_513 = arith.index_cast %mul3A_510 : i32 to index
        %get3A_514 = tpu.vector_load %arg8[%get3A_512, %get3A_513] {strides = array<i32>} : memref<64x1024xf32, #tpu.memory_space<vmem>>, vector<1x16xf32>,
        %get3A_515 = vector.shape_cast %get3A_514 : vector<1x16xf32> to vector<16xf32>
        %mul3A_516 = vector.broadcast %squeeze3A_508 : f32 to vector<16xf32>
        %mul3A_517 = arith.mulf %mul3A_516, %get3A_515 : vector<16xf32>
        %add3A_518 = arith.addf %add3A_506, %mul3A_517 : vector<16xf32>
        %slice3A_519 = vector.extract_strided_slice %get3A_468 {offsets = [4], sizes = [1], strides = [1]} : vector<16xf32> to vector<1xf32>
        %squeeze3A_520 = vector.extract %slice3A_519[0] : f32 from vector<1xf32>
        %mul3A_521 = arith.constant 16 : i32
        %mul3A_522 = arith.muli %scan3A_28, %mul3A_521 : i32
        %get3A_523 = arith.constant 36 : i32
        %get3A_524 = arith.index_cast %get3A_523 : i32 to index
        %get3A_525 = arith.index_cast %mul3A_522 : i32 to index
        %get3A_526 = tpu.vector_load %arg8[%get3A_524, %get3A_525] {strides = array<i32>} : memref<64x1024xf32, #tpu.memory_space<vmem>>, vector<1x16xf32>,
        %get3A_527 = vector.shape_cast %get3A_526 : vector<1x16xf32> to vector<16xf32>
        %mul3A_528 = vector.broadcast %squeeze3A_520 : f32 to vector<16xf32>
        %mul3A_529 = arith.mulf %mul3A_528, %get3A_527 : vector<16xf32>
        %add3A_530 = arith.addf %add3A_518, %mul3A_529 : vector<16xf32>
        %slice3A_531 = vector.extract_strided_slice %get3A_468 {offsets = [5], sizes = [1], strides = [1]} : vector<16xf32> to vector<1xf32>
        %squeeze3A_532 = vector.extract %slice3A_531[0] : f32 from vector<1xf32>
        %mul3A_533 = arith.constant 16 : i32
        %mul3A_534 = arith.muli %scan3A_28, %mul3A_533 : i32
        %get3A_535 = arith.constant 37 : i32
        %get3A_536 = arith.index_cast %get3A_535 : i32 to index
        %get3A_537 = arith.index_cast %mul3A_534 : i32 to index
        %get3A_538 = tpu.vector_load %arg8[%get3A_536, %get3A_537] {strides = array<i32>} : memref<64x1024xf32, #tpu.memory_space<vmem>>, vector<1x16xf32>,
        %get3A_539 = vector.shape_cast %get3A_538 : vector<1x16xf32> to vector<16xf32>
        %mul3A_540 = vector.broadcast %squeeze3A_532 : f32 to vector<16xf32>
        %mul3A_541 = arith.mulf %mul3A_540, %get3A_539 : vector<16xf32>
        %add3A_542 = arith.addf %add3A_530, %mul3A_541 : vector<16xf32>
        %slice3A_543 = vector.extract_strided_slice %get3A_468 {offsets = [6], sizes = [1], strides = [1]} : vector<16xf32> to vector<1xf32>
        %squeeze3A_544 = vector.extract %slice3A_543[0] : f32 from vector<1xf32>
        %mul3A_545 = arith.constant 16 : i32
        %mul3A_546 = arith.muli %scan3A_28, %mul3A_545 : i32
        %get3A_547 = arith.constant 38 : i32
        %get3A_548 = arith.index_cast %get3A_547 : i32 to index
        %get3A_549 = arith.index_cast %mul3A_546 : i32 to index
        %get3A_550 = tpu.vector_load %arg8[%get3A_548, %get3A_549] {strides = array<i32>} : memref<64x1024xf32, #tpu.memory_space<vmem>>, vector<1x16xf32>,
        %get3A_551 = vector.shape_cast %get3A_550 : vector<1x16xf32> to vector<16xf32>
        %mul3A_552 = vector.broadcast %squeeze3A_544 : f32 to vector<16xf32>
        %mul3A_553 = arith.mulf %mul3A_552, %get3A_551 : vector<16xf32>
        %add3A_554 = arith.addf %add3A_542, %mul3A_553 : vector<16xf32>
        %slice3A_555 = vector.extract_strided_slice %get3A_468 {offsets = [7], sizes = [1], strides = [1]} : vector<16xf32> to vector<1xf32>
        %squeeze3A_556 = vector.extract %slice3A_555[0] : f32 from vector<1xf32>
        %mul3A_557 = arith.constant 16 : i32
        %mul3A_558 = arith.muli %scan3A_28, %mul3A_557 : i32
        %get3A_559 = arith.constant 39 : i32
        %get3A_560 = arith.index_cast %get3A_559 : i32 to index
        %get3A_561 = arith.index_cast %mul3A_558 : i32 to index
        %get3A_562 = tpu.vector_load %arg8[%get3A_560, %get3A_561] {strides = array<i32>} : memref<64x1024xf32, #tpu.memory_space<vmem>>, vector<1x16xf32>,
        %get3A_563 = vector.shape_cast %get3A_562 : vector<1x16xf32> to vector<16xf32>
        %mul3A_564 = vector.broadcast %squeeze3A_556 : f32 to vector<16xf32>
        %mul3A_565 = arith.mulf %mul3A_564, %get3A_563 : vector<16xf32>
        %add3A_566 = arith.addf %add3A_554, %mul3A_565 : vector<16xf32>
        %mul3A_567 = arith.constant 16 : i32
        %mul3A_568 = arith.muli %scan3A_28, %mul3A_567 : i32
        %swap3A_569 = arith.constant 4 : i32
        %swap3A_570 = arith.index_cast %swap3A_569 : i32 to index
        %swap3A_571 = arith.index_cast %mul3A_568 : i32 to index
        %swap3A_572 = tpu.vector_load %arg9[%swap3A_570, %swap3A_571] {strides = array<i32>} : memref<8x1024xf32, #tpu.memory_space<vmem>>, vector<1x16xf32>,
        %swap3A_573 = vector.shape_cast %swap3A_572 : vector<1x16xf32> to vector<16xf32>
        %swap3A_574 = vector.shape_cast %add3A_566 : vector<16xf32> to vector<1x16xf32>
        tpu.vector_store %arg9[%swap3A_570, %swap3A_571], %swap3A_574 {strides = array<i32>} : memref<8x1024xf32, #tpu.memory_space<vmem>>, vector<1x16xf32>,
        %broadcast_in_dim3A_575 = arith.constant 0.000000e+00 : f32
        %broadcast_in_dim3A_576 = vector.broadcast %broadcast_in_dim3A_575 : f32 to vector<16xf32>
        %slice3A_577 = vector.extract_strided_slice %get3A_468 {offsets = [8], sizes = [1], strides = [1]} : vector<16xf32> to vector<1xf32>
        %squeeze3A_578 = vector.extract %slice3A_577[0] : f32 from vector<1xf32>
        %mul3A_579 = arith.constant 16 : i32
        %mul3A_580 = arith.muli %scan3A_28, %mul3A_579 : i32
        %get3A_581 = arith.constant 40 : i32
        %get3A_582 = arith.index_cast %get3A_581 : i32 to index
        %get3A_583 = arith.index_cast %mul3A_580 : i32 to index
        %get3A_584 = tpu.vector_load %arg8[%get3A_582, %get3A_583] {strides = array<i32>} : memref<64x1024xf32, #tpu.memory_space<vmem>>, vector<1x16xf32>,
        %get3A_585 = vector.shape_cast %get3A_584 : vector<1x16xf32> to vector<16xf32>
        %mul3A_586 = vector.broadcast %squeeze3A_578 : f32 to vector<16xf32>
        %mul3A_587 = arith.mulf %mul3A_586, %get3A_585 : vector<16xf32>
        %add3A_588 = arith.addf %broadcast_in_dim3A_576, %mul3A_587 : vector<16xf32>
        %slice3A_589 = vector.extract_strided_slice %get3A_468 {offsets = [9], sizes = [1], strides = [1]} : vector<16xf32> to vector<1xf32>
        %squeeze3A_590 = vector.extract %slice3A_589[0] : f32 from vector<1xf32>
        %mul3A_591 = arith.constant 16 : i32
        %mul3A_592 = arith.muli %scan3A_28, %mul3A_591 : i32
        %get3A_593 = arith.constant 41 : i32
        %get3A_594 = arith.index_cast %get3A_593 : i32 to index
        %get3A_595 = arith.index_cast %mul3A_592 : i32 to index
        %get3A_596 = tpu.vector_load %arg8[%get3A_594, %get3A_595] {strides = array<i32>} : memref<64x1024xf32, #tpu.memory_space<vmem>>, vector<1x16xf32>,
        %get3A_597 = vector.shape_cast %get3A_596 : vector<1x16xf32> to vector<16xf32>
        %mul3A_598 = vector.broadcast %squeeze3A_590 : f32 to vector<16xf32>
        %mul3A_599 = arith.mulf %mul3A_598, %get3A_597 : vector<16xf32>
        %add3A_600 = arith.addf %add3A_588, %mul3A_599 : vector<16xf32>
        %slice3A_601 = vector.extract_strided_slice %get3A_468 {offsets = [10], sizes = [1], strides = [1]} : vector<16xf32> to vector<1xf32>
        %squeeze3A_602 = vector.extract %slice3A_601[0] : f32 from vector<1xf32>
        %mul3A_603 = arith.constant 16 : i32
        %mul3A_604 = arith.muli %scan3A_28, %mul3A_603 : i32
        %get3A_605 = arith.constant 42 : i32
        %get3A_606 = arith.index_cast %get3A_605 : i32 to index
        %get3A_607 = arith.index_cast %mul3A_604 : i32 to index
        %get3A_608 = tpu.vector_load %arg8[%get3A_606, %get3A_607] {strides = array<i32>} : memref<64x1024xf32, #tpu.memory_space<vmem>>, vector<1x16xf32>,
        %get3A_609 = vector.shape_cast %get3A_608 : vector<1x16xf32> to vector<16xf32>
        %mul3A_610 = vector.broadcast %squeeze3A_602 : f32 to vector<16xf32>
        %mul3A_611 = arith.mulf %mul3A_610, %get3A_609 : vector<16xf32>
        %add3A_612 = arith.addf %add3A_600, %mul3A_611 : vector<16xf32>
        %slice3A_613 = vector.extract_strided_slice %get3A_468 {offsets = [11], sizes = [1], strides = [1]} : vector<16xf32> to vector<1xf32>
        %squeeze3A_614 = vector.extract %slice3A_613[0] : f32 from vector<1xf32>
        %mul3A_615 = arith.constant 16 : i32
        %mul3A_616 = arith.muli %scan3A_28, %mul3A_615 : i32
        %get3A_617 = arith.constant 43 : i32
        %get3A_618 = arith.index_cast %get3A_617 : i32 to index
        %get3A_619 = arith.index_cast %mul3A_616 : i32 to index
        %get3A_620 = tpu.vector_load %arg8[%get3A_618, %get3A_619] {strides = array<i32>} : memref<64x1024xf32, #tpu.memory_space<vmem>>, vector<1x16xf32>,
        %get3A_621 = vector.shape_cast %get3A_620 : vector<1x16xf32> to vector<16xf32>
        %mul3A_622 = vector.broadcast %squeeze3A_614 : f32 to vector<16xf32>
        %mul3A_623 = arith.mulf %mul3A_622, %get3A_621 : vector<16xf32>
        %add3A_624 = arith.addf %add3A_612, %mul3A_623 : vector<16xf32>
        %slice3A_625 = vector.extract_strided_slice %get3A_468 {offsets = [12], sizes = [1], strides = [1]} : vector<16xf32> to vector<1xf32>
        %squeeze3A_626 = vector.extract %slice3A_625[0] : f32 from vector<1xf32>
        %mul3A_627 = arith.constant 16 : i32
        %mul3A_628 = arith.muli %scan3A_28, %mul3A_627 : i32
        %get3A_629 = arith.constant 44 : i32
        %get3A_630 = arith.index_cast %get3A_629 : i32 to index
        %get3A_631 = arith.index_cast %mul3A_628 : i32 to index
        %get3A_632 = tpu.vector_load %arg8[%get3A_630, %get3A_631] {strides = array<i32>} : memref<64x1024xf32, #tpu.memory_space<vmem>>, vector<1x16xf32>,
        %get3A_633 = vector.shape_cast %get3A_632 : vector<1x16xf32> to vector<16xf32>
        %mul3A_634 = vector.broadcast %squeeze3A_626 : f32 to vector<16xf32>
        %mul3A_635 = arith.mulf %mul3A_634, %get3A_633 : vector<16xf32>
        %add3A_636 = arith.addf %add3A_624, %mul3A_635 : vector<16xf32>
        %slice3A_637 = vector.extract_strided_slice %get3A_468 {offsets = [13], sizes = [1], strides = [1]} : vector<16xf32> to vector<1xf32>
        %squeeze3A_638 = vector.extract %slice3A_637[0] : f32 from vector<1xf32>
        %mul3A_639 = arith.constant 16 : i32
        %mul3A_640 = arith.muli %scan3A_28, %mul3A_639 : i32
        %get3A_641 = arith.constant 45 : i32
        %get3A_642 = arith.index_cast %get3A_641 : i32 to index
        %get3A_643 = arith.index_cast %mul3A_640 : i32 to index
        %get3A_644 = tpu.vector_load %arg8[%get3A_642, %get3A_643] {strides = array<i32>} : memref<64x1024xf32, #tpu.memory_space<vmem>>, vector<1x16xf32>,
        %get3A_645 = vector.shape_cast %get3A_644 : vector<1x16xf32> to vector<16xf32>
        %mul3A_646 = vector.broadcast %squeeze3A_638 : f32 to vector<16xf32>
        %mul3A_647 = arith.mulf %mul3A_646, %get3A_645 : vector<16xf32>
        %add3A_648 = arith.addf %add3A_636, %mul3A_647 : vector<16xf32>
        %slice3A_649 = vector.extract_strided_slice %get3A_468 {offsets = [14], sizes = [1], strides = [1]} : vector<16xf32> to vector<1xf32>
        %squeeze3A_650 = vector.extract %slice3A_649[0] : f32 from vector<1xf32>
        %mul3A_651 = arith.constant 16 : i32
        %mul3A_652 = arith.muli %scan3A_28, %mul3A_651 : i32
        %get3A_653 = arith.constant 46 : i32
        %get3A_654 = arith.index_cast %get3A_653 : i32 to index
        %get3A_655 = arith.index_cast %mul3A_652 : i32 to index
        %get3A_656 = tpu.vector_load %arg8[%get3A_654, %get3A_655] {strides = array<i32>} : memref<64x1024xf32, #tpu.memory_space<vmem>>, vector<1x16xf32>,
        %get3A_657 = vector.shape_cast %get3A_656 : vector<1x16xf32> to vector<16xf32>
        %mul3A_658 = vector.broadcast %squeeze3A_650 : f32 to vector<16xf32>
        %mul3A_659 = arith.mulf %mul3A_658, %get3A_657 : vector<16xf32>
        %add3A_660 = arith.addf %add3A_648, %mul3A_659 : vector<16xf32>
        %slice3A_661 = vector.extract_strided_slice %get3A_468 {offsets = [15], sizes = [1], strides = [1]} : vector<16xf32> to vector<1xf32>
        %squeeze3A_662 = vector.extract %slice3A_661[0] : f32 from vector<1xf32>
        %mul3A_663 = arith.constant 16 : i32
        %mul3A_664 = arith.muli %scan3A_28, %mul3A_663 : i32
        %get3A_665 = arith.constant 47 : i32
        %get3A_666 = arith.index_cast %get3A_665 : i32 to index
        %get3A_667 = arith.index_cast %mul3A_664 : i32 to index
        %get3A_668 = tpu.vector_load %arg8[%get3A_666, %get3A_667] {strides = array<i32>} : memref<64x1024xf32, #tpu.memory_space<vmem>>, vector<1x16xf32>,
        %get3A_669 = vector.shape_cast %get3A_668 : vector<1x16xf32> to vector<16xf32>
        %mul3A_670 = vector.broadcast %squeeze3A_662 : f32 to vector<16xf32>
        %mul3A_671 = arith.mulf %mul3A_670, %get3A_669 : vector<16xf32>
        %add3A_672 = arith.addf %add3A_660, %mul3A_671 : vector<16xf32>
        %mul3A_673 = arith.constant 16 : i32
        %mul3A_674 = arith.muli %scan3A_28, %mul3A_673 : i32
        %swap3A_675 = arith.constant 5 : i32
        %swap3A_676 = arith.index_cast %swap3A_675 : i32 to index
        %swap3A_677 = arith.index_cast %mul3A_674 : i32 to index
        %swap3A_678 = tpu.vector_load %arg9[%swap3A_676, %swap3A_677] {strides = array<i32>} : memref<8x1024xf32, #tpu.memory_space<vmem>>, vector<1x16xf32>,
        %swap3A_679 = vector.shape_cast %swap3A_678 : vector<1x16xf32> to vector<16xf32>
        %swap3A_680 = vector.shape_cast %add3A_672 : vector<16xf32> to vector<1x16xf32>
        tpu.vector_store %arg9[%swap3A_676, %swap3A_677], %swap3A_680 {strides = array<i32>} : memref<8x1024xf32, #tpu.memory_space<vmem>>, vector<1x16xf32>,
        %mul3A_681 = arith.constant 64 : i32
        %mul3A_682 = arith.muli %scan3A_10, %mul3A_681 : i32
        %add3A_683 = arith.constant 48 : i32
        %add3A_684 = arith.addi %mul3A_682, %add3A_683 : i32
        %get3A_685 = arith.index_cast %add3A_684 : i32 to index
        %get3A_686 = tpu.vector_load %arg7[%get3A_685] {strides = array<i32>} : memref<2048xf32, #tpu.memory_space<vmem>>, vector<16xf32>,
        %get3A_687 = vector.shape_cast %get3A_686 : vector<16xf32> to vector<16xf32>
        %broadcast_in_dim3A_688 = arith.constant 0.000000e+00 : f32
        %broadcast_in_dim3A_689 = vector.broadcast %broadcast_in_dim3A_688 : f32 to vector<16xf32>
        %slice3A_690 = vector.extract_strided_slice %get3A_687 {offsets = [0], sizes = [1], strides = [1]} : vector<16xf32> to vector<1xf32>
        %squeeze3A_691 = vector.extract %slice3A_690[0] : f32 from vector<1xf32>
        %mul3A_692 = arith.constant 16 : i32
        %mul3A_693 = arith.muli %scan3A_28, %mul3A_692 : i32
        %get3A_694 = arith.constant 48 : i32
        %get3A_695 = arith.index_cast %get3A_694 : i32 to index
        %get3A_696 = arith.index_cast %mul3A_693 : i32 to index
        %get3A_697 = tpu.vector_load %arg8[%get3A_695, %get3A_696] {strides = array<i32>} : memref<64x1024xf32, #tpu.memory_space<vmem>>, vector<1x16xf32>,
        %get3A_698 = vector.shape_cast %get3A_697 : vector<1x16xf32> to vector<16xf32>
        %mul3A_699 = vector.broadcast %squeeze3A_691 : f32 to vector<16xf32>
        %mul3A_700 = arith.mulf %mul3A_699, %get3A_698 : vector<16xf32>
        %add3A_701 = arith.addf %broadcast_in_dim3A_689, %mul3A_700 : vector<16xf32>
        %slice3A_702 = vector.extract_strided_slice %get3A_687 {offsets = [1], sizes = [1], strides = [1]} : vector<16xf32> to vector<1xf32>
        %squeeze3A_703 = vector.extract %slice3A_702[0] : f32 from vector<1xf32>
        %mul3A_704 = arith.constant 16 : i32
        %mul3A_705 = arith.muli %scan3A_28, %mul3A_704 : i32
        %get3A_706 = arith.constant 49 : i32
        %get3A_707 = arith.index_cast %get3A_706 : i32 to index
        %get3A_708 = arith.index_cast %mul3A_705 : i32 to index
        %get3A_709 = tpu.vector_load %arg8[%get3A_707, %get3A_708] {strides = array<i32>} : memref<64x1024xf32, #tpu.memory_space<vmem>>, vector<1x16xf32>,
        %get3A_710 = vector.shape_cast %get3A_709 : vector<1x16xf32> to vector<16xf32>
        %mul3A_711 = vector.broadcast %squeeze3A_703 : f32 to vector<16xf32>
        %mul3A_712 = arith.mulf %mul3A_711, %get3A_710 : vector<16xf32>
        %add3A_713 = arith.addf %add3A_701, %mul3A_712 : vector<16xf32>
        %slice3A_714 = vector.extract_strided_slice %get3A_687 {offsets = [2], sizes = [1], strides = [1]} : vector<16xf32> to vector<1xf32>
        %squeeze3A_715 = vector.extract %slice3A_714[0] : f32 from vector<1xf32>
        %mul3A_716 = arith.constant 16 : i32
        %mul3A_717 = arith.muli %scan3A_28, %mul3A_716 : i32
        %get3A_718 = arith.constant 50 : i32
        %get3A_719 = arith.index_cast %get3A_718 : i32 to index
        %get3A_720 = arith.index_cast %mul3A_717 : i32 to index
        %get3A_721 = tpu.vector_load %arg8[%get3A_719, %get3A_720] {strides = array<i32>} : memref<64x1024xf32, #tpu.memory_space<vmem>>, vector<1x16xf32>,
        %get3A_722 = vector.shape_cast %get3A_721 : vector<1x16xf32> to vector<16xf32>
        %mul3A_723 = vector.broadcast %squeeze3A_715 : f32 to vector<16xf32>
        %mul3A_724 = arith.mulf %mul3A_723, %get3A_722 : vector<16xf32>
        %add3A_725 = arith.addf %add3A_713, %mul3A_724 : vector<16xf32>
        %slice3A_726 = vector.extract_strided_slice %get3A_687 {offsets = [3], sizes = [1], strides = [1]} : vector<16xf32> to vector<1xf32>
        %squeeze3A_727 = vector.extract %slice3A_726[0] : f32 from vector<1xf32>
        %mul3A_728 = arith.constant 16 : i32
        %mul3A_729 = arith.muli %scan3A_28, %mul3A_728 : i32
        %get3A_730 = arith.constant 51 : i32
        %get3A_731 = arith.index_cast %get3A_730 : i32 to index
        %get3A_732 = arith.index_cast %mul3A_729 : i32 to index
        %get3A_733 = tpu.vector_load %arg8[%get3A_731, %get3A_732] {strides = array<i32>} : memref<64x1024xf32, #tpu.memory_space<vmem>>, vector<1x16xf32>,
        %get3A_734 = vector.shape_cast %get3A_733 : vector<1x16xf32> to vector<16xf32>
        %mul3A_735 = vector.broadcast %squeeze3A_727 : f32 to vector<16xf32>
        %mul3A_736 = arith.mulf %mul3A_735, %get3A_734 : vector<16xf32>
        %add3A_737 = arith.addf %add3A_725, %mul3A_736 : vector<16xf32>
        %slice3A_738 = vector.extract_strided_slice %get3A_687 {offsets = [4], sizes = [1], strides = [1]} : vector<16xf32> to vector<1xf32>
        %squeeze3A_739 = vector.extract %slice3A_738[0] : f32 from vector<1xf32>
        %mul3A_740 = arith.constant 16 : i32
        %mul3A_741 = arith.muli %scan3A_28, %mul3A_740 : i32
        %get3A_742 = arith.constant 52 : i32
        %get3A_743 = arith.index_cast %get3A_742 : i32 to index
        %get3A_744 = arith.index_cast %mul3A_741 : i32 to index
        %get3A_745 = tpu.vector_load %arg8[%get3A_743, %get3A_744] {strides = array<i32>} : memref<64x1024xf32, #tpu.memory_space<vmem>>, vector<1x16xf32>,
        %get3A_746 = vector.shape_cast %get3A_745 : vector<1x16xf32> to vector<16xf32>
        %mul3A_747 = vector.broadcast %squeeze3A_739 : f32 to vector<16xf32>
        %mul3A_748 = arith.mulf %mul3A_747, %get3A_746 : vector<16xf32>
        %add3A_749 = arith.addf %add3A_737, %mul3A_748 : vector<16xf32>
        %slice3A_750 = vector.extract_strided_slice %get3A_687 {offsets = [5], sizes = [1], strides = [1]} : vector<16xf32> to vector<1xf32>
        %squeeze3A_751 = vector.extract %slice3A_750[0] : f32 from vector<1xf32>
        %mul3A_752 = arith.constant 16 : i32
        %mul3A_753 = arith.muli %scan3A_28, %mul3A_752 : i32
        %get3A_754 = arith.constant 53 : i32
        %get3A_755 = arith.index_cast %get3A_754 : i32 to index
        %get3A_756 = arith.index_cast %mul3A_753 : i32 to index
        %get3A_757 = tpu.vector_load %arg8[%get3A_755, %get3A_756] {strides = array<i32>} : memref<64x1024xf32, #tpu.memory_space<vmem>>, vector<1x16xf32>,
        %get3A_758 = vector.shape_cast %get3A_757 : vector<1x16xf32> to vector<16xf32>
        %mul3A_759 = vector.broadcast %squeeze3A_751 : f32 to vector<16xf32>
        %mul3A_760 = arith.mulf %mul3A_759, %get3A_758 : vector<16xf32>
        %add3A_761 = arith.addf %add3A_749, %mul3A_760 : vector<16xf32>
        %slice3A_762 = vector.extract_strided_slice %get3A_687 {offsets = [6], sizes = [1], strides = [1]} : vector<16xf32> to vector<1xf32>
        %squeeze3A_763 = vector.extract %slice3A_762[0] : f32 from vector<1xf32>
        %mul3A_764 = arith.constant 16 : i32
        %mul3A_765 = arith.muli %scan3A_28, %mul3A_764 : i32
        %get3A_766 = arith.constant 54 : i32
        %get3A_767 = arith.index_cast %get3A_766 : i32 to index
        %get3A_768 = arith.index_cast %mul3A_765 : i32 to index
        %get3A_769 = tpu.vector_load %arg8[%get3A_767, %get3A_768] {strides = array<i32>} : memref<64x1024xf32, #tpu.memory_space<vmem>>, vector<1x16xf32>,
        %get3A_770 = vector.shape_cast %get3A_769 : vector<1x16xf32> to vector<16xf32>
        %mul3A_771 = vector.broadcast %squeeze3A_763 : f32 to vector<16xf32>
        %mul3A_772 = arith.mulf %mul3A_771, %get3A_770 : vector<16xf32>
        %add3A_773 = arith.addf %add3A_761, %mul3A_772 : vector<16xf32>
        %slice3A_774 = vector.extract_strided_slice %get3A_687 {offsets = [7], sizes = [1], strides = [1]} : vector<16xf32> to vector<1xf32>
        %squeeze3A_775 = vector.extract %slice3A_774[0] : f32 from vector<1xf32>
        %mul3A_776 = arith.constant 16 : i32
        %mul3A_777 = arith.muli %scan3A_28, %mul3A_776 : i32
        %get3A_778 = arith.constant 55 : i32
        %get3A_779 = arith.index_cast %get3A_778 : i32 to index
        %get3A_780 = arith.index_cast %mul3A_777 : i32 to index
        %get3A_781 = tpu.vector_load %arg8[%get3A_779, %get3A_780] {strides = array<i32>} : memref<64x1024xf32, #tpu.memory_space<vmem>>, vector<1x16xf32>,
        %get3A_782 = vector.shape_cast %get3A_781 : vector<1x16xf32> to vector<16xf32>
        %mul3A_783 = vector.broadcast %squeeze3A_775 : f32 to vector<16xf32>
        %mul3A_784 = arith.mulf %mul3A_783, %get3A_782 : vector<16xf32>
        %add3A_785 = arith.addf %add3A_773, %mul3A_784 : vector<16xf32>
        %mul3A_786 = arith.constant 16 : i32
        %mul3A_787 = arith.muli %scan3A_28, %mul3A_786 : i32
        %swap3A_788 = arith.constant 6 : i32
        %swap3A_789 = arith.index_cast %swap3A_788 : i32 to index
        %swap3A_790 = arith.index_cast %mul3A_787 : i32 to index
        %swap3A_791 = tpu.vector_load %arg9[%swap3A_789, %swap3A_790] {strides = array<i32>} : memref<8x1024xf32, #tpu.memory_space<vmem>>, vector<1x16xf32>,
        %swap3A_792 = vector.shape_cast %swap3A_791 : vector<1x16xf32> to vector<16xf32>
        %swap3A_793 = vector.shape_cast %add3A_785 : vector<16xf32> to vector<1x16xf32>
        tpu.vector_store %arg9[%swap3A_789, %swap3A_790], %swap3A_793 {strides = array<i32>} : memref<8x1024xf32, #tpu.memory_space<vmem>>, vector<1x16xf32>,
        %broadcast_in_dim3A_794 = arith.constant 0.000000e+00 : f32
        %broadcast_in_dim3A_795 = vector.broadcast %broadcast_in_dim3A_794 : f32 to vector<16xf32>
        %slice3A_796 = vector.extract_strided_slice %get3A_687 {offsets = [8], sizes = [1], strides = [1]} : vector<16xf32> to vector<1xf32>
        %squeeze3A_797 = vector.extract %slice3A_796[0] : f32 from vector<1xf32>
        %mul3A_798 = arith.constant 16 : i32
        %mul3A_799 = arith.muli %scan3A_28, %mul3A_798 : i32
        %get3A_800 = arith.constant 56 : i32
        %get3A_801 = arith.index_cast %get3A_800 : i32 to index
        %get3A_802 = arith.index_cast %mul3A_799 : i32 to index
        %get3A_803 = tpu.vector_load %arg8[%get3A_801, %get3A_802] {strides = array<i32>} : memref<64x1024xf32, #tpu.memory_space<vmem>>, vector<1x16xf32>,
        %get3A_804 = vector.shape_cast %get3A_803 : vector<1x16xf32> to vector<16xf32>
        %mul3A_805 = vector.broadcast %squeeze3A_797 : f32 to vector<16xf32>
        %mul3A_806 = arith.mulf %mul3A_805, %get3A_804 : vector<16xf32>
        %add3A_807 = arith.addf %broadcast_in_dim3A_795, %mul3A_806 : vector<16xf32>
        %slice3A_808 = vector.extract_strided_slice %get3A_687 {offsets = [9], sizes = [1], strides = [1]} : vector<16xf32> to vector<1xf32>
        %squeeze3A_809 = vector.extract %slice3A_808[0] : f32 from vector<1xf32>
        %mul3A_810 = arith.constant 16 : i32
        %mul3A_811 = arith.muli %scan3A_28, %mul3A_810 : i32
        %get3A_812 = arith.constant 57 : i32
        %get3A_813 = arith.index_cast %get3A_812 : i32 to index
        %get3A_814 = arith.index_cast %mul3A_811 : i32 to index
        %get3A_815 = tpu.vector_load %arg8[%get3A_813, %get3A_814] {strides = array<i32>} : memref<64x1024xf32, #tpu.memory_space<vmem>>, vector<1x16xf32>,
        %get3A_816 = vector.shape_cast %get3A_815 : vector<1x16xf32> to vector<16xf32>
        %mul3A_817 = vector.broadcast %squeeze3A_809 : f32 to vector<16xf32>
        %mul3A_818 = arith.mulf %mul3A_817, %get3A_816 : vector<16xf32>
        %add3A_819 = arith.addf %add3A_807, %mul3A_818 : vector<16xf32>
        %slice3A_820 = vector.extract_strided_slice %get3A_687 {offsets = [10], sizes = [1], strides = [1]} : vector<16xf32> to vector<1xf32>
        %squeeze3A_821 = vector.extract %slice3A_820[0] : f32 from vector<1xf32>
        %mul3A_822 = arith.constant 16 : i32
        %mul3A_823 = arith.muli %scan3A_28, %mul3A_822 : i32
        %get3A_824 = arith.constant 58 : i32
        %get3A_825 = arith.index_cast %get3A_824 : i32 to index
        %get3A_826 = arith.index_cast %mul3A_823 : i32 to index
        %get3A_827 = tpu.vector_load %arg8[%get3A_825, %get3A_826] {strides = array<i32>} : memref<64x1024xf32, #tpu.memory_space<vmem>>, vector<1x16xf32>,
        %get3A_828 = vector.shape_cast %get3A_827 : vector<1x16xf32> to vector<16xf32>
        %mul3A_829 = vector.broadcast %squeeze3A_821 : f32 to vector<16xf32>
        %mul3A_830 = arith.mulf %mul3A_829, %get3A_828 : vector<16xf32>
        %add3A_831 = arith.addf %add3A_819, %mul3A_830 : vector<16xf32>
        %slice3A_832 = vector.extract_strided_slice %get3A_687 {offsets = [11], sizes = [1], strides = [1]} : vector<16xf32> to vector<1xf32>
        %squeeze3A_833 = vector.extract %slice3A_832[0] : f32 from vector<1xf32>
        %mul3A_834 = arith.constant 16 : i32
        %mul3A_835 = arith.muli %scan3A_28, %mul3A_834 : i32
        %get3A_836 = arith.constant 59 : i32
        %get3A_837 = arith.index_cast %get3A_836 : i32 to index
        %get3A_838 = arith.index_cast %mul3A_835 : i32 to index
        %get3A_839 = tpu.vector_load %arg8[%get3A_837, %get3A_838] {strides = array<i32>} : memref<64x1024xf32, #tpu.memory_space<vmem>>, vector<1x16xf32>,
        %get3A_840 = vector.shape_cast %get3A_839 : vector<1x16xf32> to vector<16xf32>
        %mul3A_841 = vector.broadcast %squeeze3A_833 : f32 to vector<16xf32>
        %mul3A_842 = arith.mulf %mul3A_841, %get3A_840 : vector<16xf32>
        %add3A_843 = arith.addf %add3A_831, %mul3A_842 : vector<16xf32>
        %slice3A_844 = vector.extract_strided_slice %get3A_687 {offsets = [12], sizes = [1], strides = [1]} : vector<16xf32> to vector<1xf32>
        %squeeze3A_845 = vector.extract %slice3A_844[0] : f32 from vector<1xf32>
        %mul3A_846 = arith.constant 16 : i32
        %mul3A_847 = arith.muli %scan3A_28, %mul3A_846 : i32
        %get3A_848 = arith.constant 60 : i32
        %get3A_849 = arith.index_cast %get3A_848 : i32 to index
        %get3A_850 = arith.index_cast %mul3A_847 : i32 to index
        %get3A_851 = tpu.vector_load %arg8[%get3A_849, %get3A_850] {strides = array<i32>} : memref<64x1024xf32, #tpu.memory_space<vmem>>, vector<1x16xf32>,
        %get3A_852 = vector.shape_cast %get3A_851 : vector<1x16xf32> to vector<16xf32>
        %mul3A_853 = vector.broadcast %squeeze3A_845 : f32 to vector<16xf32>
        %mul3A_854 = arith.mulf %mul3A_853, %get3A_852 : vector<16xf32>
        %add3A_855 = arith.addf %add3A_843, %mul3A_854 : vector<16xf32>
        %slice3A_856 = vector.extract_strided_slice %get3A_687 {offsets = [13], sizes = [1], strides = [1]} : vector<16xf32> to vector<1xf32>
        %squeeze3A_857 = vector.extract %slice3A_856[0] : f32 from vector<1xf32>
        %mul3A_858 = arith.constant 16 : i32
        %mul3A_859 = arith.muli %scan3A_28, %mul3A_858 : i32
        %get3A_860 = arith.constant 61 : i32
        %get3A_861 = arith.index_cast %get3A_860 : i32 to index
        %get3A_862 = arith.index_cast %mul3A_859 : i32 to index
        %get3A_863 = tpu.vector_load %arg8[%get3A_861, %get3A_862] {strides = array<i32>} : memref<64x1024xf32, #tpu.memory_space<vmem>>, vector<1x16xf32>,
        %get3A_864 = vector.shape_cast %get3A_863 : vector<1x16xf32> to vector<16xf32>
        %mul3A_865 = vector.broadcast %squeeze3A_857 : f32 to vector<16xf32>
        %mul3A_866 = arith.mulf %mul3A_865, %get3A_864 : vector<16xf32>
        %add3A_867 = arith.addf %add3A_855, %mul3A_866 : vector<16xf32>
        %slice3A_868 = vector.extract_strided_slice %get3A_687 {offsets = [14], sizes = [1], strides = [1]} : vector<16xf32> to vector<1xf32>
        %squeeze3A_869 = vector.extract %slice3A_868[0] : f32 from vector<1xf32>
        %mul3A_870 = arith.constant 16 : i32
        %mul3A_871 = arith.muli %scan3A_28, %mul3A_870 : i32
        %get3A_872 = arith.constant 62 : i32
        %get3A_873 = arith.index_cast %get3A_872 : i32 to index
        %get3A_874 = arith.index_cast %mul3A_871 : i32 to index
        %get3A_875 = tpu.vector_load %arg8[%get3A_873, %get3A_874] {strides = array<i32>} : memref<64x1024xf32, #tpu.memory_space<vmem>>, vector<1x16xf32>,
        %get3A_876 = vector.shape_cast %get3A_875 : vector<1x16xf32> to vector<16xf32>
        %mul3A_877 = vector.broadcast %squeeze3A_869 : f32 to vector<16xf32>
        %mul3A_878 = arith.mulf %mul3A_877, %get3A_876 : vector<16xf32>
        %add3A_879 = arith.addf %add3A_867, %mul3A_878 : vector<16xf32>
        %slice3A_880 = vector.extract_strided_slice %get3A_687 {offsets = [15], sizes = [1], strides = [1]} : vector<16xf32> to vector<1xf32>
        %squeeze3A_881 = vector.extract %slice3A_880[0] : f32 from vector<1xf32>
        %mul3A_882 = arith.constant 16 : i32
        %mul3A_883 = arith.muli %scan3A_28, %mul3A_882 : i32
        %get3A_884 = arith.constant 63 : i32
        %get3A_885 = arith.index_cast %get3A_884 : i32 to index
        %get3A_886 = arith.index_cast %mul3A_883 : i32 to index
        %get3A_887 = tpu.vector_load %arg8[%get3A_885, %get3A_886] {strides = array<i32>} : memref<64x1024xf32, #tpu.memory_space<vmem>>, vector<1x16xf32>,
        %get3A_888 = vector.shape_cast %get3A_887 : vector<1x16xf32> to vector<16xf32>
        %mul3A_889 = vector.broadcast %squeeze3A_881 : f32 to vector<16xf32>
        %mul3A_890 = arith.mulf %mul3A_889, %get3A_888 : vector<16xf32>
        %add3A_891 = arith.addf %add3A_879, %mul3A_890 : vector<16xf32>
        %mul3A_892 = arith.constant 16 : i32
        %mul3A_893 = arith.muli %scan3A_28, %mul3A_892 : i32
        %swap3A_894 = arith.constant 7 : i32
        %swap3A_895 = arith.index_cast %swap3A_894 : i32 to index
        %swap3A_896 = arith.index_cast %mul3A_893 : i32 to index
        %swap3A_897 = tpu.vector_load %arg9[%swap3A_895, %swap3A_896] {strides = array<i32>} : memref<8x1024xf32, #tpu.memory_space<vmem>>, vector<1x16xf32>,
        %swap3A_898 = vector.shape_cast %swap3A_897 : vector<1x16xf32> to vector<16xf32>
        %swap3A_899 = vector.shape_cast %add3A_891 : vector<16xf32> to vector<1x16xf32>
        tpu.vector_store %arg9[%swap3A_895, %swap3A_896], %swap3A_899 {strides = array<i32>} : memref<8x1024xf32, #tpu.memory_space<vmem>>, vector<1x16xf32>,
      }
      %scan3A_24 = arith.constant 64 : i32
      %mul3A_25 = arith.constant 8 : i32
      %mul3A_26 = arith.muli %scan3A_10, %mul3A_25 : i32
      %add3A_27 = arith.addi %mul3A_4, %mul3A_26 : i32
      "tpu.region"() ({
        %run_scoped3A = tpu.sem_alloc : memref<!tpu.dma_semaphore, #tpu.memory_space<semaphore_mem>>
        %dma_start3A_28 = arith.constant 0 : i32
        %dma_start3A_29 = tpu.memref_slice %arg5[%add3A_27, %dma_start3A_28] : memref<8192x1024xf32, #tpu.memory_space<hbm>> -> memref<8x1024xf32, #tpu.memory_space<hbm>>
        %dma_start3A_30 = arith.constant 0 : i32
        %dma_start3A_31 = tpu.memref_slice %arg5[%add3A_27, %dma_start3A_30] : memref<8192x1024xf32, #tpu.memory_space<hbm>> -> memref<8x1024xf32, #tpu.memory_space<hbm>>
        tpu.enqueue_dma source(%arg9 : memref<8x1024xf32, #tpu.memory_space<vmem>>) target(%dma_start3A_31 : memref<8x1024xf32, #tpu.memory_space<hbm>>) target_semaphore(%run_scoped3A : memref<!tpu.dma_semaphore, #tpu.memory_space<semaphore_mem>>)
        %dma_wait3A_32 = arith.constant 0 : i32
        %dma_wait3A_33 = tpu.memref_slice %arg5[%add3A_27, %dma_wait3A_32] : memref<8192x1024xf32, #tpu.memory_space<hbm>> -> memref<8x1024xf32, #tpu.memory_space<hbm>>
        %dma_wait3A_34 = arith.constant 0 : i32
        %dma_wait3A_35 = tpu.memref_slice %arg5[%add3A_27, %dma_wait3A_34] : memref<8192x1024xf32, #tpu.memory_space<hbm>> -> memref<8x1024xf32, #tpu.memory_space<hbm>>
        tpu.wait_dma2 semaphore(%run_scoped3A : memref<!tpu.dma_semaphore, #tpu.memory_space<semaphore_mem>>) src(%arg9 : memref<8x1024xf32, #tpu.memory_space<vmem>>) dst(%dma_wait3A_35 : memref<8x1024xf32, #tpu.memory_space<hbm>>)
        tpu.yield
      }) : () -> ()
    }
    %scan3A_9 = arith.constant 32 : i32
    return
  }
}

module attributes {stable_mosaic.version = 14 : i64} {
  func.func @_topk_body(%arg0: i32, %arg1: memref<256x1024xf32, #tpu.memory_space<vmem>>, %arg2: memref<4096x1024xf32, #tpu.memory_space<vmem>>, %arg3: memref<1024x1024xbf16, #tpu.memory_space<vmem>>, %arg4: memref<1x1024xf32, #tpu.memory_space<vmem>>, %arg5: memref<256x8xi32, #tpu.memory_space<vmem>>, %arg6: memref<256x8xf32, #tpu.memory_space<vmem>>, %arg7: memref<1024x4096xbf16, #tpu.memory_space<vmem>>) attributes {dimension_semantics = [#tpu.dimension_semantics<arbitrary>], iteration_bounds = array<i64: 32>, scalar_prefetch = 0 : i64, scratch_operands = 1 : i64, tpu.core_type = #tpu.core_type<tc>, window_params = [{transform_indices = @transform_0, window_bounds = array<i64: 256, 1024>}, {pipeline_mode = #tpu.pipeline_mode<synchronous>, transform_indices = @transform_1, window_bounds = array<i64: 4096, 1024>}, {pipeline_mode = #tpu.pipeline_mode<synchronous>, transform_indices = @transform_2, window_bounds = array<i64: 1024, 1024>}, {pipeline_mode = #tpu.pipeline_mode<synchronous>, transform_indices = @transform_3, window_bounds = array<i64: 1, 1024>}, {transform_indices = @transform_4, window_bounds = array<i64: 256, 8>}, {transform_indices = @transform_5, window_bounds = array<i64: 256, 8>}]} {
    %eq3A = arith.constant 0 : i32
    %eq3A_0 = arith.cmpi eq, %arg0, %eq3A : i32
    %convert_element_type3A = arith.extui %eq3A_0 : i1 to i32
    %cond3A = arith.constant 0 : i32
    %cond3A_1 = arith.cmpi ne, %convert_element_type3A, %cond3A : i32
    scf.if %cond3A_1 {
      %get3A_270 = arith.constant 0 : index
      %get3A_271 = arith.constant 0 : index
      %get3A_272 = vector.load %arg2[%get3A_270, %get3A_271] : memref<4096x1024xf32, #tpu.memory_space<vmem>>, vector<4096x1024xf32>
      %convert_element_type3A_273 = arith.truncf %get3A_272 : vector<4096x1024xf32> to vector<4096x1024xbf16>
      %transpose3A = tpu.transpose %convert_element_type3A_273, [1, 0] : vector<4096x1024xbf16> -> vector<1024x4096xbf16>
      %swap3A_274 = arith.constant 0 : index
      %swap3A_275 = arith.constant 0 : index
      %swap3A_276 = vector.load %arg7[%swap3A_274, %swap3A_275] : memref<1024x4096xbf16, #tpu.memory_space<vmem>>, vector<1024x4096xbf16>
      tpu.vector_store %arg7[%swap3A_274, %swap3A_275], %transpose3A {strides = array<i32>} : memref<1024x4096xbf16, #tpu.memory_space<vmem>>, vector<1024x4096xbf16>,
    } else {
    }
    %get3A = arith.constant 0 : index
    %get3A_2 = arith.constant 0 : index
    %get3A_3 = vector.load %arg1[%get3A, %get3A_2] : memref<256x1024xf32, #tpu.memory_space<vmem>>, vector<256x1024xf32>
    %convert_element_type3A_4 = arith.truncf %get3A_3 : vector<256x1024xf32> to vector<256x1024xbf16>
    %get3A_5 = arith.constant 0 : index
    %get3A_6 = arith.constant 0 : index
    %get3A_7 = vector.load %arg3[%get3A_5, %get3A_6] : memref<1024x1024xbf16, #tpu.memory_space<vmem>>, vector<1024x1024xbf16>
    %dot_general3A = arith.constant dense<0.000000e+00> : vector<256x1024xf32>
    %dot_general3A_8 = tpu.matmul %convert_element_type3A_4, %get3A_7, %dot_general3A {dimension_numbers = #tpu.dot_dimension_numbers<[1], [0], [0], [1], [0, 0, 1, 1], [], []>, transpose_lhs_hint = false} : vector<256x1024xbf16>, vector<1024x1024xbf16>, vector<256x1024xf32> -> vector<256x1024xf32>
    %get3A_9 = arith.constant 0 : index
    %get3A_10 = arith.constant 0 : index
    %get3A_11 = vector.load %arg4[%get3A_9, %get3A_10] : memref<1x1024xf32, #tpu.memory_space<vmem>>, vector<1x1024xf32>
    %add3A = vector.broadcast %get3A_11 : vector<1x1024xf32> to vector<256x1024xf32>
    %add3A_12 = arith.addf %dot_general3A_8, %add3A : vector<256x1024xf32>
    %convert_element_type3A_13 = arith.truncf %add3A_12 : vector<256x1024xf32> to vector<256x1024xbf16>
    %get3A_14 = arith.constant 0 : index
    %get3A_15 = arith.constant 0 : index
    %get3A_16 = vector.load %arg7[%get3A_14, %get3A_15] : memref<1024x4096xbf16, #tpu.memory_space<vmem>>, vector<1024x4096xbf16>
    %dot_general3A_17 = arith.constant dense<0.000000e+00> : vector<256x4096xf32>
    %dot_general3A_18 = tpu.matmul %convert_element_type3A_13, %get3A_16, %dot_general3A_17 {dimension_numbers = #tpu.dot_dimension_numbers<[1], [0], [0], [1], [0, 0, 1, 1], [], []>, transpose_lhs_hint = false} : vector<256x1024xbf16>, vector<1024x4096xbf16>, vector<256x4096xf32> -> vector<256x4096xf32>
    %convert_element_type3A_19 = arith.truncf %dot_general3A_18 : vector<256x4096xf32> to vector<256x4096xbf16>
    %bitcast_convert_type3A = tpu.bitcast %convert_element_type3A_19 : vector<256x4096xbf16> -> vector<256x4096xi16>
    %convert_element_type3A_20 = arith.extsi %bitcast_convert_type3A : vector<256x4096xi16> to vector<256x4096xi32>
    %and3A = arith.constant 65535 : i32
    %and3A_21 = vector.broadcast %and3A : i32 to vector<256x4096xi32>
    %and3A_22 = arith.andi %convert_element_type3A_20, %and3A_21 : vector<256x4096xi32>
    %ge3A = arith.constant 32768 : i32
    %ge3A_23 = vector.broadcast %ge3A : i32 to vector<256x4096xi32>
    %ge3A_24 = arith.cmpi sge, %and3A_22, %ge3A_23 : vector<256x4096xi32>
    %sub3A = arith.constant 32768 : i32
    %sub3A_25 = vector.broadcast %sub3A : i32 to vector<256x4096xi32>
    %sub3A_26 = arith.subi %sub3A_25, %and3A_22 : vector<256x4096xi32>
    %select_n3A = arith.select %ge3A_24, %sub3A_26, %and3A_22 : vector<256x4096xi1>, vector<256x4096xi32>
    %iota3A = tpu.iota {dimensions = array<i32: 1>} : vector<256x4096xi32>
    %mul3A = arith.constant 4096 : i32
    %mul3A_27 = vector.broadcast %mul3A : i32 to vector<256x4096xi32>
    %mul3A_28 = arith.muli %select_n3A, %mul3A_27 : vector<256x4096xi32>
    %sub3A_29 = arith.constant 4095 : i32
    %sub3A_30 = vector.broadcast %sub3A_29 : i32 to vector<256x4096xi32>
    %sub3A_31 = arith.subi %sub3A_30, %iota3A : vector<256x4096xi32>
    %add3A_32 = arith.addi %mul3A_28, %sub3A_31 : vector<256x4096xi32>
    %reduce_max3A = arith.constant dense<-2147483648> : vector<256xi32>
    %reduce_max3A_33 = vector.multi_reduction <maxsi>, %add3A_32, %reduce_max3A [1] : vector<256x4096xi32> to vector<256xi32>
    %broadcast_in_dim3A = vector.shape_cast %reduce_max3A_33 : vector<256xi32> to vector<256x1xi32>
    %shift_right_arithmetic3A = arith.constant 12 : i32
    %shift_right_arithmetic3A_34 = vector.broadcast %shift_right_arithmetic3A : i32 to vector<256x1xi32>
    %shift_right_arithmetic3A_35 = arith.shrsi %broadcast_in_dim3A, %shift_right_arithmetic3A_34 : vector<256x1xi32>
    %lt3A = arith.constant 0 : i32
    %lt3A_36 = vector.broadcast %lt3A : i32 to vector<256x1xi32>
    %lt3A_37 = arith.cmpi slt, %shift_right_arithmetic3A_35, %lt3A_36 : vector<256x1xi32>
    %sub3A_38 = arith.constant 32768 : i32
    %sub3A_39 = vector.broadcast %sub3A_38 : i32 to vector<256x1xi32>
    %sub3A_40 = arith.subi %sub3A_39, %shift_right_arithmetic3A_35 : vector<256x1xi32>
    %select_n3A_41 = arith.select %lt3A_37, %sub3A_40, %shift_right_arithmetic3A_35 : vector<256x1xi1>, vector<256x1xi32>
    %convert_element_type3A_42 = arith.trunci %select_n3A_41 : vector<256x1xi32> to vector<256x1xi16>
    %bitcast_convert_type3A_43 = tpu.bitcast %convert_element_type3A_42 : vector<256x1xi16> -> vector<256x1xbf16>
    %convert_element_type3A_44 = arith.extf %bitcast_convert_type3A_43 : vector<256x1xbf16> to vector<256x1xf32>
    %broadcast_in_dim3A_45 = arith.constant 1.000000e+00 : f32
    %broadcast_in_dim3A_46 = vector.broadcast %broadcast_in_dim3A_45 : f32 to vector<256x1xf32>
    %and3A_47 = arith.constant 4095 : i32
    %and3A_48 = vector.broadcast %and3A_47 : i32 to vector<256x1xi32>
    %and3A_49 = arith.andi %broadcast_in_dim3A, %and3A_48 : vector<256x1xi32>
    %sub3A_50 = arith.constant 4095 : i32
    %sub3A_51 = vector.broadcast %sub3A_50 : i32 to vector<256x1xi32>
    %sub3A_52 = arith.subi %sub3A_51, %and3A_49 : vector<256x1xi32>
    %broadcast_in_dim3A_53 = arith.constant 1.000000e+00 : f32
    %broadcast_in_dim3A_54 = vector.broadcast %broadcast_in_dim3A_53 : f32 to vector<256x1xf32>
    %lt3A_55 = vector.broadcast %broadcast_in_dim3A : vector<256x1xi32> to vector<256x4096xi32>
    %lt3A_56 = arith.cmpi slt, %add3A_32, %lt3A_55 : vector<256x4096xi32>
    %jit3A = arith.constant -2147483647 : i32
    %broadcast_in_dim3A_57 = vector.broadcast %jit3A : i32 to vector<256x4096xi32>
    %select_n3A_58 = arith.select %lt3A_56, %add3A_32, %broadcast_in_dim3A_57 : vector<256x4096xi1>, vector<256x4096xi32>
    %reduce_max3A_59 = arith.constant dense<-2147483648> : vector<256xi32>
    %reduce_max3A_60 = vector.multi_reduction <maxsi>, %select_n3A_58, %reduce_max3A_59 [1] : vector<256x4096xi32> to vector<256xi32>
    %broadcast_in_dim3A_61 = vector.shape_cast %reduce_max3A_60 : vector<256xi32> to vector<256x1xi32>
    %shift_right_arithmetic3A_62 = arith.constant 12 : i32
    %shift_right_arithmetic3A_63 = vector.broadcast %shift_right_arithmetic3A_62 : i32 to vector<256x1xi32>
    %shift_right_arithmetic3A_64 = arith.shrsi %broadcast_in_dim3A_61, %shift_right_arithmetic3A_63 : vector<256x1xi32>
    %lt3A_65 = arith.constant 0 : i32
    %lt3A_66 = vector.broadcast %lt3A_65 : i32 to vector<256x1xi32>
    %lt3A_67 = arith.cmpi slt, %shift_right_arithmetic3A_64, %lt3A_66 : vector<256x1xi32>
    %sub3A_68 = arith.constant 32768 : i32
    %sub3A_69 = vector.broadcast %sub3A_68 : i32 to vector<256x1xi32>
    %sub3A_70 = arith.subi %sub3A_69, %shift_right_arithmetic3A_64 : vector<256x1xi32>
    %select_n3A_71 = arith.select %lt3A_67, %sub3A_70, %shift_right_arithmetic3A_64 : vector<256x1xi1>, vector<256x1xi32>
    %convert_element_type3A_72 = arith.trunci %select_n3A_71 : vector<256x1xi32> to vector<256x1xi16>
    %bitcast_convert_type3A_73 = tpu.bitcast %convert_element_type3A_72 : vector<256x1xi16> -> vector<256x1xbf16>
    %convert_element_type3A_74 = arith.extf %bitcast_convert_type3A_73 : vector<256x1xbf16> to vector<256x1xf32>
    %sub3A_75 = arith.subf %convert_element_type3A_74, %convert_element_type3A_44 : vector<256x1xf32>
    %exp3A = math.exp %sub3A_75 : vector<256x1xf32>
    %add3A_76 = arith.addf %broadcast_in_dim3A_46, %exp3A : vector<256x1xf32>
    %and3A_77 = arith.constant 4095 : i32
    %and3A_78 = vector.broadcast %and3A_77 : i32 to vector<256x1xi32>
    %and3A_79 = arith.andi %broadcast_in_dim3A_61, %and3A_78 : vector<256x1xi32>
    %sub3A_80 = arith.constant 4095 : i32
    %sub3A_81 = vector.broadcast %sub3A_80 : i32 to vector<256x1xi32>
    %sub3A_82 = arith.subi %sub3A_81, %and3A_79 : vector<256x1xi32>
    %lt3A_83 = vector.broadcast %broadcast_in_dim3A_61 : vector<256x1xi32> to vector<256x4096xi32>
    %lt3A_84 = arith.cmpi slt, %add3A_32, %lt3A_83 : vector<256x4096xi32>
    %jit3A_85 = arith.constant -2147483647 : i32
    %broadcast_in_dim3A_86 = vector.broadcast %jit3A_85 : i32 to vector<256x4096xi32>
    %select_n3A_87 = arith.select %lt3A_84, %add3A_32, %broadcast_in_dim3A_86 : vector<256x4096xi1>, vector<256x4096xi32>
    %reduce_max3A_88 = arith.constant dense<-2147483648> : vector<256xi32>
    %reduce_max3A_89 = vector.multi_reduction <maxsi>, %select_n3A_87, %reduce_max3A_88 [1] : vector<256x4096xi32> to vector<256xi32>
    %broadcast_in_dim3A_90 = vector.shape_cast %reduce_max3A_89 : vector<256xi32> to vector<256x1xi32>
    %shift_right_arithmetic3A_91 = arith.constant 12 : i32
    %shift_right_arithmetic3A_92 = vector.broadcast %shift_right_arithmetic3A_91 : i32 to vector<256x1xi32>
    %shift_right_arithmetic3A_93 = arith.shrsi %broadcast_in_dim3A_90, %shift_right_arithmetic3A_92 : vector<256x1xi32>
    %lt3A_94 = arith.constant 0 : i32
    %lt3A_95 = vector.broadcast %lt3A_94 : i32 to vector<256x1xi32>
    %lt3A_96 = arith.cmpi slt, %shift_right_arithmetic3A_93, %lt3A_95 : vector<256x1xi32>
    %sub3A_97 = arith.constant 32768 : i32
    %sub3A_98 = vector.broadcast %sub3A_97 : i32 to vector<256x1xi32>
    %sub3A_99 = arith.subi %sub3A_98, %shift_right_arithmetic3A_93 : vector<256x1xi32>
    %select_n3A_100 = arith.select %lt3A_96, %sub3A_99, %shift_right_arithmetic3A_93 : vector<256x1xi1>, vector<256x1xi32>
    %convert_element_type3A_101 = arith.trunci %select_n3A_100 : vector<256x1xi32> to vector<256x1xi16>
    %bitcast_convert_type3A_102 = tpu.bitcast %convert_element_type3A_101 : vector<256x1xi16> -> vector<256x1xbf16>
    %convert_element_type3A_103 = arith.extf %bitcast_convert_type3A_102 : vector<256x1xbf16> to vector<256x1xf32>
    %sub3A_104 = arith.subf %convert_element_type3A_103, %convert_element_type3A_44 : vector<256x1xf32>
    %exp3A_105 = math.exp %sub3A_104 : vector<256x1xf32>
    %add3A_106 = arith.addf %add3A_76, %exp3A_105 : vector<256x1xf32>
    %and3A_107 = arith.constant 4095 : i32
    %and3A_108 = vector.broadcast %and3A_107 : i32 to vector<256x1xi32>
    %and3A_109 = arith.andi %broadcast_in_dim3A_90, %and3A_108 : vector<256x1xi32>
    %sub3A_110 = arith.constant 4095 : i32
    %sub3A_111 = vector.broadcast %sub3A_110 : i32 to vector<256x1xi32>
    %sub3A_112 = arith.subi %sub3A_111, %and3A_109 : vector<256x1xi32>
    %lt3A_113 = vector.broadcast %broadcast_in_dim3A_90 : vector<256x1xi32> to vector<256x4096xi32>
    %lt3A_114 = arith.cmpi slt, %add3A_32, %lt3A_113 : vector<256x4096xi32>
    %jit3A_115 = arith.constant -2147483647 : i32
    %broadcast_in_dim3A_116 = vector.broadcast %jit3A_115 : i32 to vector<256x4096xi32>
    %select_n3A_117 = arith.select %lt3A_114, %add3A_32, %broadcast_in_dim3A_116 : vector<256x4096xi1>, vector<256x4096xi32>
    %reduce_max3A_118 = arith.constant dense<-2147483648> : vector<256xi32>
    %reduce_max3A_119 = vector.multi_reduction <maxsi>, %select_n3A_117, %reduce_max3A_118 [1] : vector<256x4096xi32> to vector<256xi32>
    %broadcast_in_dim3A_120 = vector.shape_cast %reduce_max3A_119 : vector<256xi32> to vector<256x1xi32>
    %shift_right_arithmetic3A_121 = arith.constant 12 : i32
    %shift_right_arithmetic3A_122 = vector.broadcast %shift_right_arithmetic3A_121 : i32 to vector<256x1xi32>
    %shift_right_arithmetic3A_123 = arith.shrsi %broadcast_in_dim3A_120, %shift_right_arithmetic3A_122 : vector<256x1xi32>
    %lt3A_124 = arith.constant 0 : i32
    %lt3A_125 = vector.broadcast %lt3A_124 : i32 to vector<256x1xi32>
    %lt3A_126 = arith.cmpi slt, %shift_right_arithmetic3A_123, %lt3A_125 : vector<256x1xi32>
    %sub3A_127 = arith.constant 32768 : i32
    %sub3A_128 = vector.broadcast %sub3A_127 : i32 to vector<256x1xi32>
    %sub3A_129 = arith.subi %sub3A_128, %shift_right_arithmetic3A_123 : vector<256x1xi32>
    %select_n3A_130 = arith.select %lt3A_126, %sub3A_129, %shift_right_arithmetic3A_123 : vector<256x1xi1>, vector<256x1xi32>
    %convert_element_type3A_131 = arith.trunci %select_n3A_130 : vector<256x1xi32> to vector<256x1xi16>
    %bitcast_convert_type3A_132 = tpu.bitcast %convert_element_type3A_131 : vector<256x1xi16> -> vector<256x1xbf16>
    %convert_element_type3A_133 = arith.extf %bitcast_convert_type3A_132 : vector<256x1xbf16> to vector<256x1xf32>
    %sub3A_134 = arith.subf %convert_element_type3A_133, %convert_element_type3A_44 : vector<256x1xf32>
    %exp3A_135 = math.exp %sub3A_134 : vector<256x1xf32>
    %add3A_136 = arith.addf %add3A_106, %exp3A_135 : vector<256x1xf32>
    %and3A_137 = arith.constant 4095 : i32
    %and3A_138 = vector.broadcast %and3A_137 : i32 to vector<256x1xi32>
    %and3A_139 = arith.andi %broadcast_in_dim3A_120, %and3A_138 : vector<256x1xi32>
    %sub3A_140 = arith.constant 4095 : i32
    %sub3A_141 = vector.broadcast %sub3A_140 : i32 to vector<256x1xi32>
    %sub3A_142 = arith.subi %sub3A_141, %and3A_139 : vector<256x1xi32>
    %lt3A_143 = vector.broadcast %broadcast_in_dim3A_120 : vector<256x1xi32> to vector<256x4096xi32>
    %lt3A_144 = arith.cmpi slt, %add3A_32, %lt3A_143 : vector<256x4096xi32>
    %jit3A_145 = arith.constant -2147483647 : i32
    %broadcast_in_dim3A_146 = vector.broadcast %jit3A_145 : i32 to vector<256x4096xi32>
    %select_n3A_147 = arith.select %lt3A_144, %add3A_32, %broadcast_in_dim3A_146 : vector<256x4096xi1>, vector<256x4096xi32>
    %reduce_max3A_148 = arith.constant dense<-2147483648> : vector<256xi32>
    %reduce_max3A_149 = vector.multi_reduction <maxsi>, %select_n3A_147, %reduce_max3A_148 [1] : vector<256x4096xi32> to vector<256xi32>
    %broadcast_in_dim3A_150 = vector.shape_cast %reduce_max3A_149 : vector<256xi32> to vector<256x1xi32>
    %shift_right_arithmetic3A_151 = arith.constant 12 : i32
    %shift_right_arithmetic3A_152 = vector.broadcast %shift_right_arithmetic3A_151 : i32 to vector<256x1xi32>
    %shift_right_arithmetic3A_153 = arith.shrsi %broadcast_in_dim3A_150, %shift_right_arithmetic3A_152 : vector<256x1xi32>
    %lt3A_154 = arith.constant 0 : i32
    %lt3A_155 = vector.broadcast %lt3A_154 : i32 to vector<256x1xi32>
    %lt3A_156 = arith.cmpi slt, %shift_right_arithmetic3A_153, %lt3A_155 : vector<256x1xi32>
    %sub3A_157 = arith.constant 32768 : i32
    %sub3A_158 = vector.broadcast %sub3A_157 : i32 to vector<256x1xi32>
    %sub3A_159 = arith.subi %sub3A_158, %shift_right_arithmetic3A_153 : vector<256x1xi32>
    %select_n3A_160 = arith.select %lt3A_156, %sub3A_159, %shift_right_arithmetic3A_153 : vector<256x1xi1>, vector<256x1xi32>
    %convert_element_type3A_161 = arith.trunci %select_n3A_160 : vector<256x1xi32> to vector<256x1xi16>
    %bitcast_convert_type3A_162 = tpu.bitcast %convert_element_type3A_161 : vector<256x1xi16> -> vector<256x1xbf16>
    %convert_element_type3A_163 = arith.extf %bitcast_convert_type3A_162 : vector<256x1xbf16> to vector<256x1xf32>
    %sub3A_164 = arith.subf %convert_element_type3A_163, %convert_element_type3A_44 : vector<256x1xf32>
    %exp3A_165 = math.exp %sub3A_164 : vector<256x1xf32>
    %add3A_166 = arith.addf %add3A_136, %exp3A_165 : vector<256x1xf32>
    %and3A_167 = arith.constant 4095 : i32
    %and3A_168 = vector.broadcast %and3A_167 : i32 to vector<256x1xi32>
    %and3A_169 = arith.andi %broadcast_in_dim3A_150, %and3A_168 : vector<256x1xi32>
    %sub3A_170 = arith.constant 4095 : i32
    %sub3A_171 = vector.broadcast %sub3A_170 : i32 to vector<256x1xi32>
    %sub3A_172 = arith.subi %sub3A_171, %and3A_169 : vector<256x1xi32>
    %lt3A_173 = vector.broadcast %broadcast_in_dim3A_150 : vector<256x1xi32> to vector<256x4096xi32>
    %lt3A_174 = arith.cmpi slt, %add3A_32, %lt3A_173 : vector<256x4096xi32>
    %jit3A_175 = arith.constant -2147483647 : i32
    %broadcast_in_dim3A_176 = vector.broadcast %jit3A_175 : i32 to vector<256x4096xi32>
    %select_n3A_177 = arith.select %lt3A_174, %add3A_32, %broadcast_in_dim3A_176 : vector<256x4096xi1>, vector<256x4096xi32>
    %reduce_max3A_178 = arith.constant dense<-2147483648> : vector<256xi32>
    %reduce_max3A_179 = vector.multi_reduction <maxsi>, %select_n3A_177, %reduce_max3A_178 [1] : vector<256x4096xi32> to vector<256xi32>
    %broadcast_in_dim3A_180 = vector.shape_cast %reduce_max3A_179 : vector<256xi32> to vector<256x1xi32>
    %shift_right_arithmetic3A_181 = arith.constant 12 : i32
    %shift_right_arithmetic3A_182 = vector.broadcast %shift_right_arithmetic3A_181 : i32 to vector<256x1xi32>
    %shift_right_arithmetic3A_183 = arith.shrsi %broadcast_in_dim3A_180, %shift_right_arithmetic3A_182 : vector<256x1xi32>
    %lt3A_184 = arith.constant 0 : i32
    %lt3A_185 = vector.broadcast %lt3A_184 : i32 to vector<256x1xi32>
    %lt3A_186 = arith.cmpi slt, %shift_right_arithmetic3A_183, %lt3A_185 : vector<256x1xi32>
    %sub3A_187 = arith.constant 32768 : i32
    %sub3A_188 = vector.broadcast %sub3A_187 : i32 to vector<256x1xi32>
    %sub3A_189 = arith.subi %sub3A_188, %shift_right_arithmetic3A_183 : vector<256x1xi32>
    %select_n3A_190 = arith.select %lt3A_186, %sub3A_189, %shift_right_arithmetic3A_183 : vector<256x1xi1>, vector<256x1xi32>
    %convert_element_type3A_191 = arith.trunci %select_n3A_190 : vector<256x1xi32> to vector<256x1xi16>
    %bitcast_convert_type3A_192 = tpu.bitcast %convert_element_type3A_191 : vector<256x1xi16> -> vector<256x1xbf16>
    %convert_element_type3A_193 = arith.extf %bitcast_convert_type3A_192 : vector<256x1xbf16> to vector<256x1xf32>
    %sub3A_194 = arith.subf %convert_element_type3A_193, %convert_element_type3A_44 : vector<256x1xf32>
    %exp3A_195 = math.exp %sub3A_194 : vector<256x1xf32>
    %add3A_196 = arith.addf %add3A_166, %exp3A_195 : vector<256x1xf32>
    %and3A_197 = arith.constant 4095 : i32
    %and3A_198 = vector.broadcast %and3A_197 : i32 to vector<256x1xi32>
    %and3A_199 = arith.andi %broadcast_in_dim3A_180, %and3A_198 : vector<256x1xi32>
    %sub3A_200 = arith.constant 4095 : i32
    %sub3A_201 = vector.broadcast %sub3A_200 : i32 to vector<256x1xi32>
    %sub3A_202 = arith.subi %sub3A_201, %and3A_199 : vector<256x1xi32>
    %lt3A_203 = vector.broadcast %broadcast_in_dim3A_180 : vector<256x1xi32> to vector<256x4096xi32>
    %lt3A_204 = arith.cmpi slt, %add3A_32, %lt3A_203 : vector<256x4096xi32>
    %jit3A_205 = arith.constant -2147483647 : i32
    %broadcast_in_dim3A_206 = vector.broadcast %jit3A_205 : i32 to vector<256x4096xi32>
    %select_n3A_207 = arith.select %lt3A_204, %add3A_32, %broadcast_in_dim3A_206 : vector<256x4096xi1>, vector<256x4096xi32>
    %reduce_max3A_208 = arith.constant dense<-2147483648> : vector<256xi32>
    %reduce_max3A_209 = vector.multi_reduction <maxsi>, %select_n3A_207, %reduce_max3A_208 [1] : vector<256x4096xi32> to vector<256xi32>
    %broadcast_in_dim3A_210 = vector.shape_cast %reduce_max3A_209 : vector<256xi32> to vector<256x1xi32>
    %shift_right_arithmetic3A_211 = arith.constant 12 : i32
    %shift_right_arithmetic3A_212 = vector.broadcast %shift_right_arithmetic3A_211 : i32 to vector<256x1xi32>
    %shift_right_arithmetic3A_213 = arith.shrsi %broadcast_in_dim3A_210, %shift_right_arithmetic3A_212 : vector<256x1xi32>
    %lt3A_214 = arith.constant 0 : i32
    %lt3A_215 = vector.broadcast %lt3A_214 : i32 to vector<256x1xi32>
    %lt3A_216 = arith.cmpi slt, %shift_right_arithmetic3A_213, %lt3A_215 : vector<256x1xi32>
    %sub3A_217 = arith.constant 32768 : i32
    %sub3A_218 = vector.broadcast %sub3A_217 : i32 to vector<256x1xi32>
    %sub3A_219 = arith.subi %sub3A_218, %shift_right_arithmetic3A_213 : vector<256x1xi32>
    %select_n3A_220 = arith.select %lt3A_216, %sub3A_219, %shift_right_arithmetic3A_213 : vector<256x1xi1>, vector<256x1xi32>
    %convert_element_type3A_221 = arith.trunci %select_n3A_220 : vector<256x1xi32> to vector<256x1xi16>
    %bitcast_convert_type3A_222 = tpu.bitcast %convert_element_type3A_221 : vector<256x1xi16> -> vector<256x1xbf16>
    %convert_element_type3A_223 = arith.extf %bitcast_convert_type3A_222 : vector<256x1xbf16> to vector<256x1xf32>
    %sub3A_224 = arith.subf %convert_element_type3A_223, %convert_element_type3A_44 : vector<256x1xf32>
    %exp3A_225 = math.exp %sub3A_224 : vector<256x1xf32>
    %add3A_226 = arith.addf %add3A_196, %exp3A_225 : vector<256x1xf32>
    %and3A_227 = arith.constant 4095 : i32
    %and3A_228 = vector.broadcast %and3A_227 : i32 to vector<256x1xi32>
    %and3A_229 = arith.andi %broadcast_in_dim3A_210, %and3A_228 : vector<256x1xi32>
    %sub3A_230 = arith.constant 4095 : i32
    %sub3A_231 = vector.broadcast %sub3A_230 : i32 to vector<256x1xi32>
    %sub3A_232 = arith.subi %sub3A_231, %and3A_229 : vector<256x1xi32>
    %lt3A_233 = vector.broadcast %broadcast_in_dim3A_210 : vector<256x1xi32> to vector<256x4096xi32>
    %lt3A_234 = arith.cmpi slt, %add3A_32, %lt3A_233 : vector<256x4096xi32>
    %jit3A_235 = arith.constant -2147483647 : i32
    %broadcast_in_dim3A_236 = vector.broadcast %jit3A_235 : i32 to vector<256x4096xi32>
    %select_n3A_237 = arith.select %lt3A_234, %add3A_32, %broadcast_in_dim3A_236 : vector<256x4096xi1>, vector<256x4096xi32>
    %reduce_max3A_238 = arith.constant dense<-2147483648> : vector<256xi32>
    %reduce_max3A_239 = vector.multi_reduction <maxsi>, %select_n3A_237, %reduce_max3A_238 [1] : vector<256x4096xi32> to vector<256xi32>
    %broadcast_in_dim3A_240 = vector.shape_cast %reduce_max3A_239 : vector<256xi32> to vector<256x1xi32>
    %shift_right_arithmetic3A_241 = arith.constant 12 : i32
    %shift_right_arithmetic3A_242 = vector.broadcast %shift_right_arithmetic3A_241 : i32 to vector<256x1xi32>
    %shift_right_arithmetic3A_243 = arith.shrsi %broadcast_in_dim3A_240, %shift_right_arithmetic3A_242 : vector<256x1xi32>
    %lt3A_244 = arith.constant 0 : i32
    %lt3A_245 = vector.broadcast %lt3A_244 : i32 to vector<256x1xi32>
    %lt3A_246 = arith.cmpi slt, %shift_right_arithmetic3A_243, %lt3A_245 : vector<256x1xi32>
    %sub3A_247 = arith.constant 32768 : i32
    %sub3A_248 = vector.broadcast %sub3A_247 : i32 to vector<256x1xi32>
    %sub3A_249 = arith.subi %sub3A_248, %shift_right_arithmetic3A_243 : vector<256x1xi32>
    %select_n3A_250 = arith.select %lt3A_246, %sub3A_249, %shift_right_arithmetic3A_243 : vector<256x1xi1>, vector<256x1xi32>
    %convert_element_type3A_251 = arith.trunci %select_n3A_250 : vector<256x1xi32> to vector<256x1xi16>
    %bitcast_convert_type3A_252 = tpu.bitcast %convert_element_type3A_251 : vector<256x1xi16> -> vector<256x1xbf16>
    %convert_element_type3A_253 = arith.extf %bitcast_convert_type3A_252 : vector<256x1xbf16> to vector<256x1xf32>
    %sub3A_254 = arith.subf %convert_element_type3A_253, %convert_element_type3A_44 : vector<256x1xf32>
    %exp3A_255 = math.exp %sub3A_254 : vector<256x1xf32>
    %add3A_256 = arith.addf %add3A_226, %exp3A_255 : vector<256x1xf32>
    %and3A_257 = arith.constant 4095 : i32
    %and3A_258 = vector.broadcast %and3A_257 : i32 to vector<256x1xi32>
    %and3A_259 = arith.andi %broadcast_in_dim3A_240, %and3A_258 : vector<256x1xi32>
    %sub3A_260 = arith.constant 4095 : i32
    %sub3A_261 = vector.broadcast %sub3A_260 : i32 to vector<256x1xi32>
    %sub3A_262 = arith.subi %sub3A_261, %and3A_259 : vector<256x1xi32>
    %concatenate3A = tpu.concatenate %sub3A_52, %sub3A_82, %sub3A_112, %sub3A_142, %sub3A_172, %sub3A_202, %sub3A_232, %sub3A_262 in 1 : vector<256x1xi32>, vector<256x1xi32>, vector<256x1xi32>, vector<256x1xi32>, vector<256x1xi32>, vector<256x1xi32>, vector<256x1xi32>, vector<256x1xi32> -> vector<256x8xi32>
    %swap3A = arith.constant 0 : index
    %swap3A_263 = arith.constant 0 : index
    %swap3A_264 = vector.load %arg5[%swap3A, %swap3A_263] : memref<256x8xi32, #tpu.memory_space<vmem>>, vector<256x8xi32>
    tpu.vector_store %arg5[%swap3A, %swap3A_263], %concatenate3A {strides = array<i32>} : memref<256x8xi32, #tpu.memory_space<vmem>>, vector<256x8xi32>,
    %concatenate3A_265 = tpu.concatenate %broadcast_in_dim3A_54, %exp3A, %exp3A_105, %exp3A_135, %exp3A_165, %exp3A_195, %exp3A_225, %exp3A_255 in 1 : vector<256x1xf32>, vector<256x1xf32>, vector<256x1xf32>, vector<256x1xf32>, vector<256x1xf32>, vector<256x1xf32>, vector<256x1xf32>, vector<256x1xf32> -> vector<256x8xf32>
    %div3A = vector.broadcast %add3A_256 : vector<256x1xf32> to vector<256x8xf32>
    %div3A_266 = arith.divf %concatenate3A_265, %div3A : vector<256x8xf32>
    %swap3A_267 = arith.constant 0 : index
    %swap3A_268 = arith.constant 0 : index
    %swap3A_269 = vector.load %arg6[%swap3A_267, %swap3A_268] : memref<256x8xf32, #tpu.memory_space<vmem>>, vector<256x8xf32>
    tpu.vector_store %arg6[%swap3A_267, %swap3A_268], %div3A_266 {strides = array<i32>} : memref<256x8xf32, #tpu.memory_space<vmem>>, vector<256x8xf32>,
    return
  }
  func.func @transform_0(%arg0: i32) -> (i32, i32) {
    %c0_i32 = arith.constant 0 : i32
    %c0_i32_0 = arith.constant 0 : i32
    return %arg0, %c0_i32 : i32, i32
  }
  func.func @transform_1(%arg0: i32) -> (i32, i32) {
    %c0_i32 = arith.constant 0 : i32
    %c0_i32_0 = arith.constant 0 : i32
    %c0_i32_1 = arith.constant 0 : i32
    return %c0_i32, %c0_i32_0 : i32, i32
  }
  func.func @transform_2(%arg0: i32) -> (i32, i32) {
    %c0_i32 = arith.constant 0 : i32
    %c0_i32_0 = arith.constant 0 : i32
    %c0_i32_1 = arith.constant 0 : i32
    return %c0_i32, %c0_i32_0 : i32, i32
  }
  func.func @transform_3(%arg0: i32) -> (i32, i32) {
    %c0_i32 = arith.constant 0 : i32
    %c0_i32_0 = arith.constant 0 : i32
    %c0_i32_1 = arith.constant 0 : i32
    return %c0_i32, %c0_i32_0 : i32, i32
  }
  func.func @transform_4(%arg0: i32) -> (i32, i32) {
    %c0_i32 = arith.constant 0 : i32
    %c0_i32_0 = arith.constant 0 : i32
    return %arg0, %c0_i32 : i32, i32
  }
  func.func @transform_5(%arg0: i32) -> (i32, i32) {
    %c0_i32 = arith.constant 0 : i32
    %c0_i32_0 = arith.constant 0 : i32
    return %arg0, %c0_i32 : i32, i32
  }
}

module attributes {stable_mosaic.version = 14 : i64} {
  func.func @_ffn_body(%arg0: i32, %arg1: memref<256x1024xf32, #tpu.memory_space<vmem>>, %arg2: memref<256x1024xf32, #tpu.memory_space<vmem>>, %arg3: memref<2048x1024xbf16, #tpu.memory_space<vmem>>, %arg4: memref<1x1024xf32, #tpu.memory_space<vmem>>, %arg5: memref<1x1024xf32, #tpu.memory_space<vmem>>, %arg6: memref<1x1024xf32, #tpu.memory_space<vmem>>, %arg7: memref<256x1024xf32, #tpu.memory_space<vmem>>) attributes {dimension_semantics = [#tpu.dimension_semantics<arbitrary>], iteration_bounds = array<i64: 32>, scalar_prefetch = 0 : i64, scratch_operands = 0 : i64, tpu.core_type = #tpu.core_type<tc>, window_params = [{transform_indices = @transform_0, window_bounds = array<i64: 256, 1024>}, {transform_indices = @transform_1, window_bounds = array<i64: 256, 1024>}, {pipeline_mode = #tpu.pipeline_mode<synchronous>, transform_indices = @transform_2, window_bounds = array<i64: 2048, 1024>}, {pipeline_mode = #tpu.pipeline_mode<synchronous>, transform_indices = @transform_3, window_bounds = array<i64: 1, 1024>}, {pipeline_mode = #tpu.pipeline_mode<synchronous>, transform_indices = @transform_4, window_bounds = array<i64: 1, 1024>}, {pipeline_mode = #tpu.pipeline_mode<synchronous>, transform_indices = @transform_5, window_bounds = array<i64: 1, 1024>}, {transform_indices = @transform_6, window_bounds = array<i64: 256, 1024>}]} {
    %get3A = arith.constant 0 : index
    %get3A_0 = arith.constant 0 : index
    %get3A_1 = vector.load %arg1[%get3A, %get3A_0] : memref<256x1024xf32, #tpu.memory_space<vmem>>, vector<256x1024xf32>
    %convert_element_type3A = arith.truncf %get3A_1 : vector<256x1024xf32> to vector<256x1024xbf16>
    %get3A_2 = arith.constant 0 : index
    %get3A_3 = arith.constant 0 : index
    %get3A_4 = vector.load %arg2[%get3A_2, %get3A_3] : memref<256x1024xf32, #tpu.memory_space<vmem>>, vector<256x1024xf32>
    %convert_element_type3A_5 = arith.truncf %get3A_4 : vector<256x1024xf32> to vector<256x1024xbf16>
    %concatenate3A = tpu.concatenate %convert_element_type3A, %convert_element_type3A_5 in 1 : vector<256x1024xbf16>, vector<256x1024xbf16> -> vector<256x2048xbf16>
    %get3A_6 = arith.constant 0 : index
    %get3A_7 = arith.constant 0 : index
    %get3A_8 = vector.load %arg3[%get3A_6, %get3A_7] : memref<2048x1024xbf16, #tpu.memory_space<vmem>>, vector<2048x1024xbf16>
    %dot_general3A = arith.constant dense<0.000000e+00> : vector<256x1024xf32>
    %dot_general3A_9 = tpu.matmul %concatenate3A, %get3A_8, %dot_general3A {dimension_numbers = #tpu.dot_dimension_numbers<[1], [0], [0], [1], [0, 0, 1, 1], [], []>, transpose_lhs_hint = false} : vector<256x2048xbf16>, vector<2048x1024xbf16>, vector<256x1024xf32> -> vector<256x1024xf32>
    %get3A_10 = arith.constant 0 : index
    %get3A_11 = arith.constant 0 : index
    %get3A_12 = vector.load %arg4[%get3A_10, %get3A_11] : memref<1x1024xf32, #tpu.memory_space<vmem>>, vector<1x1024xf32>
    %add3A = vector.broadcast %get3A_12 : vector<1x1024xf32> to vector<256x1024xf32>
    %add3A_13 = arith.addf %dot_general3A_9, %add3A : vector<256x1024xf32>
    %reduce_sum3A = arith.constant dense<0.000000e+00> : vector<256xf32>
    %reduce_sum3A_14 = vector.multi_reduction <add>, %add3A_13, %reduce_sum3A [1] : vector<256x1024xf32> to vector<256xf32>
    %broadcast_in_dim3A = vector.shape_cast %reduce_sum3A_14 : vector<256xf32> to vector<256x1xf32>
    %div3A = arith.constant 1.024000e+03 : f32
    %div3A_15 = vector.broadcast %div3A : f32 to vector<256x1xf32>
    %div3A_16 = arith.divf %broadcast_in_dim3A, %div3A_15 : vector<256x1xf32>
    %mul3A = arith.mulf %add3A_13, %add3A_13 : vector<256x1024xf32>
    %reduce_sum3A_17 = arith.constant dense<0.000000e+00> : vector<256xf32>
    %reduce_sum3A_18 = vector.multi_reduction <add>, %mul3A, %reduce_sum3A_17 [1] : vector<256x1024xf32> to vector<256xf32>
    %broadcast_in_dim3A_19 = vector.shape_cast %reduce_sum3A_18 : vector<256xf32> to vector<256x1xf32>
    %div3A_20 = arith.constant 1.024000e+03 : f32
    %div3A_21 = vector.broadcast %div3A_20 : f32 to vector<256x1xf32>
    %div3A_22 = arith.divf %broadcast_in_dim3A_19, %div3A_21 : vector<256x1xf32>
    %mul3A_23 = arith.mulf %div3A_16, %div3A_16 : vector<256x1xf32>
    %sub3A = arith.subf %div3A_22, %mul3A_23 : vector<256x1xf32>
    %sub3A_24 = vector.broadcast %div3A_16 : vector<256x1xf32> to vector<256x1024xf32>
    %sub3A_25 = arith.subf %add3A_13, %sub3A_24 : vector<256x1024xf32>
    %add3A_26 = arith.constant 9.99999974E-6 : f32
    %add3A_27 = vector.broadcast %add3A_26 : f32 to vector<256x1xf32>
    %add3A_28 = arith.addf %sub3A, %add3A_27 : vector<256x1xf32>
    %rsqrt3A = math.rsqrt %add3A_28 : vector<256x1xf32>
    %mul3A_29 = vector.broadcast %rsqrt3A : vector<256x1xf32> to vector<256x1024xf32>
    %mul3A_30 = arith.mulf %sub3A_25, %mul3A_29 : vector<256x1024xf32>
    %get3A_31 = arith.constant 0 : index
    %get3A_32 = arith.constant 0 : index
    %get3A_33 = vector.load %arg5[%get3A_31, %get3A_32] : memref<1x1024xf32, #tpu.memory_space<vmem>>, vector<1x1024xf32>
    %mul3A_34 = vector.broadcast %get3A_33 : vector<1x1024xf32> to vector<256x1024xf32>
    %mul3A_35 = arith.mulf %mul3A_30, %mul3A_34 : vector<256x1024xf32>
    %get3A_36 = arith.constant 0 : index
    %get3A_37 = arith.constant 0 : index
    %get3A_38 = vector.load %arg6[%get3A_36, %get3A_37] : memref<1x1024xf32, #tpu.memory_space<vmem>>, vector<1x1024xf32>
    %add3A_39 = vector.broadcast %get3A_38 : vector<1x1024xf32> to vector<256x1024xf32>
    %add3A_40 = arith.addf %mul3A_35, %add3A_39 : vector<256x1024xf32>
    %max3A = arith.constant 0.000000e+00 : f32
    %max3A_41 = vector.broadcast %max3A : f32 to vector<256x1024xf32>
    %max3A_42 = arith.maximumf %add3A_40, %max3A_41 : vector<256x1024xf32>
    %swap3A = arith.constant 0 : index
    %swap3A_43 = arith.constant 0 : index
    %swap3A_44 = vector.load %arg7[%swap3A, %swap3A_43] : memref<256x1024xf32, #tpu.memory_space<vmem>>, vector<256x1024xf32>
    tpu.vector_store %arg7[%swap3A, %swap3A_43], %max3A_42 {strides = array<i32>} : memref<256x1024xf32, #tpu.memory_space<vmem>>, vector<256x1024xf32>,
    return
  }
  func.func @transform_0(%arg0: i32) -> (i32, i32) {
    %c0_i32 = arith.constant 0 : i32
    %c0_i32_0 = arith.constant 0 : i32
    return %arg0, %c0_i32 : i32, i32
  }
  func.func @transform_1(%arg0: i32) -> (i32, i32) {
    %c0_i32 = arith.constant 0 : i32
    %c0_i32_0 = arith.constant 0 : i32
    return %arg0, %c0_i32 : i32, i32
  }
  func.func @transform_2(%arg0: i32) -> (i32, i32) {
    %c0_i32 = arith.constant 0 : i32
    %c0_i32_0 = arith.constant 0 : i32
    %c0_i32_1 = arith.constant 0 : i32
    return %c0_i32, %c0_i32_0 : i32, i32
  }
  func.func @transform_3(%arg0: i32) -> (i32, i32) {
    %c0_i32 = arith.constant 0 : i32
    %c0_i32_0 = arith.constant 0 : i32
    %c0_i32_1 = arith.constant 0 : i32
    return %c0_i32, %c0_i32_0 : i32, i32
  }
  func.func @transform_4(%arg0: i32) -> (i32, i32) {
    %c0_i32 = arith.constant 0 : i32
    %c0_i32_0 = arith.constant 0 : i32
    %c0_i32_1 = arith.constant 0 : i32
    return %c0_i32, %c0_i32_0 : i32, i32
  }
  func.func @transform_5(%arg0: i32) -> (i32, i32) {
    %c0_i32 = arith.constant 0 : i32
    %c0_i32_0 = arith.constant 0 : i32
    %c0_i32_1 = arith.constant 0 : i32
    return %c0_i32, %c0_i32_0 : i32, i32
  }
  func.func @transform_6(%arg0: i32) -> (i32, i32) {
    %c0_i32 = arith.constant 0 : i32
    %c0_i32_0 = arith.constant 0 : i32
    return %arg0, %c0_i32 : i32, i32
  }
}

</mosaic_0001>

<sc_bundles>
// kernel: kernel.5.cloned.1.call-start
scs
__scs_entry_jumppad:
0x0: {  	(pc) =	sbr.rel $0x88, $3  }
0x1: {  	(tag) =	ssettag $0x0;
	lr =	simm.s32 $0x1  }
0x2: {  	[smem:$0x3F99] =	sst lr;
	_ =	strace $0xD0000000  }
0x3: {  	_ = 	snop  }
0x4: {  	_ = 	snop  }
0x5: {  	_ = 	snop  }
0x6: {  	_ = 	snop  }
0x7: {  	_ = 	snop  }
__scs_overlays_trampoline_lowered:
0x8: {  	[smem:$0x3FA8] =	sst s0  }
0x9: {  	[smem:$0x3FA9] =	sst s1  }
0xa: {  	[smem:$0x3FAA] =	sst s2  }
0xb: {  	[smem:$0x3FAB] =	sst s3  }
0xc: {  	[smem:$0x3FAC] =	sst s4  }
0xd: {  	[smem:$0x3FAD] =	sst s5  }
0xe: {  	[smem:$0x3FAE] =	sst s6  }
0xf: {  	[smem:$0x3FAF] =	sst s7  }
0x10: {  	[smem:$0x3FB0] =	sst s8  }
0x11: {  	[smem:$0x3FB1] =	sst s9;
	s0 =	simm.s32 @!p0 $0x0  }
0x12: {  	s1 =	sld [smem:$0x3F97];
	s0 =	simm.s32 @p0 $0x1  }
0x13: {  	[smem:$0x3FB2] =	sst s0;
	s0 =	simm.s32 @!p1 $0x0  }
0x14: {  	s2 =	sld [smem:$0x3F96];
	s0 =	simm.s32 @p1 $0x1  }
0x15: {  	[smem:$0x3FB3] =	sst s0;
	s0 =	simm.s32 @!p2 $0x0  }
0x16: {  	s3 =	sld [smem:$0x3FDB];
	s0 =	simm.s32 @p2 $0x1  }
0x17: {  	s4 =	simm.s32 $0x1BF5;
	[smem:$0x3FB5] =	sst s0  }
0x18: {  	s0 =	sld [smem:$0x3F98];
	_ =	swait.ge [sflag:s4], $0x0  }
0x19: {  	s7 =	sld [smem:$0x3F99]  }
0x1a: {  	s8 =	sadd.s32 $0xFFFFE003, lr  }
0x1b: {  	s9 =	sadd.s32 $0xFFFFFEF7, lr;
	s5 =	simm.s32 $0xFFFFFFFF;
	p2 =	slt.u32 s8, $0xFFFFF086  }
0x1c: {  	p1 =	slt.u32 s9, $0xF7A;
	s5 =	simm.s32 @!p2 $0x0  }
0x1d: {  	s5 =	simm.s32 @p1 $0x1;
	p0 =	seq.s32 s7, s2  }
0x1e: {  	s7 =	smul.u32 @!p0 $0xF7A, s2;
	p2 =	seq.s32 @!p0 s5, $0x0  }
0x1f: {  	s9 =	smul.u32 $0xF7A, s1;
	s8 =	simm.s32 @!p0 $0x1BF5;
	p2 =	por !p2, p0  }
0x20: {  	[sflag:s8] =	ssyncset.s32 @!p0 $0xFFFFF086;
	s6 =	sadd.s32 @!p0 s3, s7;
	s7 =	simm.s32 @!p0 $0x108  }
0x21: {  	s3 =	sadd.s32 s3, s9;
	s6 =	sadd.s32 @!p0 $0x88, s6;
	s7 =	simm.s32 @p2 $0x1082  }
0x22: {  	[simem:s7], [sflag:s8] =	dma.local @!p0 [hbm:s6], $0xF7A  }
0x23: {  	s9 =	sor.u32 $0xD0000000, s2;
	s6 =	simm.s32 $0x108;
	_ =	swait.ge @!p0 [sflag:s8], $0x0  }
0x24: {  	s3 =	sadd.s32 $0x88, s3;
	s6 =	simm.s32 @!p1 $0x1082;
	[sflag:s4] =	ssyncset.s32 $0xFFFFF086  }
0x25: {  	[simem:s6], [sflag:s4] =	dma.local [hbm:s3], $0xF7A  }
0x26: {  	[smem:$0x3F99] =	sst s1;
	(tag) =	ssettag s2;
	_ =	strace s9  }
0x27: {  	s1 =	sld [smem:$0x3FA9]  }
0x28: {  	s2 =	sld [smem:$0x3FAA]  }
0x29: {  	s4 =	sld [smem:$0x3FAC]  }
0x2a: {  	p0 =	seq.s32 s5, $0x0;
	s5 =	sld [smem:$0x3FAD]  }
0x2b: {  	s6 =	sld [smem:$0x3FAE]  }
0x2c: {  	s7 =	sld [smem:$0x3FAF]  }
0x2d: {  	s3 =	simm.s32 $0x108;
	s8 =	sld [smem:$0x3FB0]  }
0x2e: {  	s3 =	simm.s32 @!p0 $0x1082;
	s9 =	sld [smem:$0x3FB1]  }
0x2f: {  	lr =	sadd.s32 s0, s3;
	s0 =	sld [smem:$0x3FA8]  }
0x30: {  	s3 =	sld [smem:$0x3FAB]  }
0x31: {  	[smem:$0x3FB4] =	sst s10  }
0x32: {  	s10 =	sld [smem:$0x3FB2];
	_ =	sdelay $0x3  }
0x33: {  	p0 =	seq.s32 s10, $0x1;
	s10 =	sld [smem:$0x3FB4];
	_ =	sdelay $0x3  }
0x34: {  	[smem:$0x3FB4] =	sst s10  }
0x35: {  	s10 =	sld [smem:$0x3FB3];
	_ =	sdelay $0x3  }
0x36: {  	p1 =	seq.s32 s10, $0x1;
	s10 =	sld [smem:$0x3FB4];
	_ =	sdelay $0x3  }
0x37: {  	[smem:$0x3FB4] =	sst s10  }
0x38: {  	s10 =	sld [smem:$0x3FB5]  }
0x39: {  	_ = 	snop;
	(pc) =	sbr.ind lr, $3  }
0x3a: {  	_ = 	snop  }
0x3b: {  	_ = 	snop  }
0x3c: {  	p2 =	seq.s32 s10, $0x1;
	s10 =	sld [smem:$0x3FB4]  }
0x3d: {  	_ =	shalt  }
0x3e: {  	_ =	shalt  }
0x3f: {  	_ =	shalt  }
0x40: {  	_ =	shalt  }
0x41: {  	_ =	shalt  }
0x42: {  	_ =	shalt  }
0x43: {  	_ =	shalt  }
0x44: {  	_ =	shalt  }
0x45: {  	_ =	shalt  }
0x46: {  	_ =	shalt  }
0x47: {  	_ =	shalt  }
0x48: {  	_ =	shalt  }
0x49: {  	_ =	shalt  }
0x4a: {  	_ =	shalt  }
0x4b: {  	_ =	shalt  }
0x4c: {  	_ =	shalt  }
0x4d: {  	_ =	shalt  }
0x4e: {  	_ =	shalt  }
0x4f: {  	_ =	shalt  }
0x50: {  	_ =	shalt  }
0x51: {  	_ =	shalt  }
0x52: {  	_ =	shalt  }
0x53: {  	_ =	shalt  }
0x54: {  	_ =	shalt  }
0x55: {  	_ =	shalt  }
0x56: {  	_ =	shalt  }
0x57: {  	_ =	shalt  }
0x58: {  	_ =	shalt  }
0x59: {  	_ =	shalt  }
0x5a: {  	_ =	shalt  }
0x5b: {  	_ =	shalt  }
0x5c: {  	_ =	shalt  }
0x5d: {  	_ =	shalt  }
0x5e: {  	_ =	shalt  }
0x5f: {  	_ =	shalt  }
0x60: {  	_ =	shalt  }
0x61: {  	_ =	shalt  }
0x62: {  	_ =	shalt  }
0x63: {  	_ =	shalt  }
0x64: {  	_ =	shalt  }
0x65: {  	_ =	shalt  }
0x66: {  	_ =	shalt  }
0x67: {  	_ =	shalt  }
0x68: {  	_ =	shalt  }
0x69: {  	_ =	shalt  }
0x6a: {  	_ =	shalt  }
0x6b: {  	_ =	shalt  }
0x6c: {  	_ =	shalt  }
0x6d: {  	_ =	shalt  }
0x6e: {  	_ =	shalt  }
0x6f: {  	_ =	shalt  }
0x70: {  	_ =	shalt  }
0x71: {  	_ =	shalt  }
0x72: {  	_ =	shalt  }
0x73: {  	_ =	shalt  }
0x74: {  	_ =	shalt  }
0x75: {  	_ =	shalt  }
0x76: {  	_ =	shalt  }
0x77: {  	_ =	shalt  }
0x78: {  	_ =	shalt  }
0x79: {  	_ =	shalt  }
0x7a: {  	_ =	shalt  }
0x7b: {  	_ =	shalt  }
0x7c: {  	_ =	shalt  }
0x7d: {  	_ =	shalt  }
0x7e: {  	_ =	shalt  }
0x7f: {  	_ =	shalt  }
0x80: {  	_ =	shalt  }
0x81: {  	_ =	shalt  }
0x82: {  	_ =	shalt  }
0x83: {  	_ =	shalt  }
0x84: {  	_ =	shalt  }
0x85: {  	_ =	shalt  }
0x86: {  	_ =	shalt  }
0x87: {  	_ =	shalt  }
.Lfunc_end0:
.L_simem_size_0:
called_computation_lowered:
.L_overlay_start_0:
0x88: {  	s2 =	sld [smem:$0x3FD9]  }
0x89: {  	s3 =	sld [smem:$0x3FFE];
	_ =	sdelay $0x1  }
0x8a: {  	s1 =	srdreg.scid  }
0x8b: {  	s0 =	sand.u32 $0x1, s1  }
0x8c: {  	s17 =	sshll.u32 s0, $0xA;
	s2 =	sadd.s32 s3, s2  }
0x8d: {  	s2 =	sadd.s32 s2, s17  }
0x8e: {  	[smem:$0x3FC0] =	sst s2  }
0x8f: {  	_ = 	snop  }
0x90: {  	s2 =	sld [smem:$0x3FC8]  }
0x91: {  	s18 =	sld [smem:$0x3FD0];
	(tm) =	ssettm $0x1  }
0x92: {  	s4 =	sld [smem:$0x3FFB];
	_ =	sdelay $0x3  }
0x93: {  	_ =	strace s4  }
0x94: {  	s4 =	sld [smem:$0x3FFC];
	_ =	sdelay $0x3  }
0x95: {  	_ =	strace s4  }
0x96: {  	s4 =	sld [smem:$0x3FFD];
	_ =	sdelay $0x3  }
0x97: {  	_ =	strace s4  }
0x98: {  	_ =	strace $0x8FFFFFFF  }
0x99: {  	s19 =	sld [smem:$0x3FDB];
	_ =	sdelay $0x1  }
0x9a: {  	s5 =	simm.s32 $_scs_section_size  }
0x9b: {  	s6 =	simm.s32 $_size__tile_overlayer_lowered;
	s7 =	simm.s32 $_tile_overlayer_lowered  }
0x9c: {  	s22 =	simm.s32 $0x1BFF;
	s21 =	sshll.u32 s7, $0x1;
	s4 =	sadd.s32 s5, s19  }
0x9d: {  	s8 =	simm.s32 $0x0;
	s20 =	sshll.u32 s6, $0x1;
	s6 =	sadd.s32 s21, s4  }
0x9e: {  	[timem:s8], [sflag:s22] =	dma.local [hbm:s6], s20  }
0x9f: {  	_ =	swait.ge [sflag:s22], s20  }
0xa0: {  	s5 =	ssub.s32 $0x0, s20;
	[sflag:s22] =	ssyncset.done $0x0  }
0xa1: {  	[sflag:s22] =	ssyncadd.s32 s5;
	_ =	sdelay $0x1  }
0xa2: {  	s23 =	simm.s32 $0x1B8B  }
0xa3: {  	_ =	swait.ge [sflag:s23], $0x1  }
0xa4: {  	[sflag:s23] =	ssyncset.done $0x0  }
0xa5: {  	s25 =	simm.s32 $0x1B8E;
	s24 =	sld [smem:$0x3FFE];
	[sflag:s23] =	ssyncadd.s32 $0xFFFFFFFF  }
0xa6: {  	s26 =	simm.s32 $execute0_lowered;
	[smem:$0x3FD2] =	sst s25  }
0xa7: {  	s6 =	sshll.u32 s26, $0x1;
	_ =	strace $0x80000046;
	[dreg:$0x1] =	wrdreg $0xFFFFFFFF  }
0xa8: {  	s28 =	simm.s32 $_size_execute0_lowered;
	s4 =	sadd.s32 s4, s6;
	[dreg:$0x0] =	wrdreg $0x0  }
0xa9: {  	s6 =	sshll.u32 s28, $0x1;
	[dreg:$0x2] =	wrdreg s4  }
0xaa: {  	[dreg:$0x3] =	wrdreg s6  }
0xab: {  	[dreg:$0x4] =	wrdreg $0xC0  }
0xac: {  	_ =	task [dreg:s8], $0x5FFFF  }
0xad: {  	[dreg:$0x1] =	wrdreg $0xFFFFFFFF  }
0xae: {  	[dreg:$0x0] =	wrdreg $0x60  }
0xaf: {  	[dreg:$0x2] =	wrdreg s2  }
0xb0: {  	[dreg:$0x3] =	wrdreg s18  }
0xb1: {  	[dreg:$0x4] =	wrdreg s24  }
0xb2: {  	[dreg:$0x5] =	wrdreg $0x9  }
0xb3: {  	_ =	task.clear_ibuf [dreg:s8], $0x6FFFF;
	_ =	strace $0x90000046  }
0xb4: {  	s29 =	simm.s32 $0x9;
	_ =	strace $0x80000048  }
0xb5: {  	_ =	swait.ge [sflag:s29], $0x1  }
0xb6: {  	[sflag:s29] =	ssyncadd.s32 $0xFFFFFFFF  }
0xb7: {  	_ =	strace $0x90000048  }
0xb8: {  	_ =	sfence  }
0xb9: {  	s30 =	sld [smem:$0x0];
	_ =	sdelay $0x2  }
0xba: {  	s31 =	sshll.u32 s1, $0xD;
	s1 =	sshrl.u32 s1, $0x2  }
0xbb: {  	s3 =	sand.u32 $0x4000, s31;
	s1 =	sadd.s32 s1, s30  }
0xbc: {  	s0 =	sor.u32 s3, s0;
	s1 =	sshll.u32 s1, $0x11  }
0xbd: {  	s0 =	sor.u32 s1, s0  }
0xbe: {  	s0 =	sadd.s32 $0x8F2B, s0  }
0xbf: {  	[sflag:s0] =	ssyncadd.remote.s32 $0x1  }
0xc0: {  	_ =	sfence.sel $0xFFFF  }
0xc1: {  	[dreg:$0x0] =	wrdreg $0xFFFFFFFF;
	(pc) =	sbr.abs _section_cstart, $3  }
0xc2: {  	[dreg:$0x1] =	wrdreg $0xFFFFFFFF  }
0xc3: {  	_ =	task.clear_ibuf [dreg:s8], $0x2FFFF;
	_ =	strace $0x9FFFFFFF  }
0xc4: {  	(tm) =	ssettm $0x7FFFFFFF  }
0xc5: {  	_ =	shalt  }
tec
execute0_lowered:
.L_overlay_start_1:
0x0: {  	(tag) =	ssettag $0x1  }
0x1: {  	s1 =	rddreg [dreg:$0x0]  }
0x2: {  	s0 =	rddreg [dreg:$0x1]  }
0x3: {  	s2 =	rddreg [dreg:$0x2]  }
0x4: {  	s3 =	simm.s32 $0x0;
	s4 =	srdreg.scid;
	s5 =	stileid.u32  }
0x5: {  	s11 =	simm.s32 $0x2;
	s12 =	simm.s32 $0xB000;
	s10 =	simm.s32 $0xC800  }
0x6: {  	s13 =	simm.s32 $0xD000;
	s14 =	simm.s32 $0xD800;
	s15 =	simm.s32 $0xE000  }
0x7: {  	s16 =	simm.s32 $0xE800;
	s17 =	simm.s32 $0xF000;
	s18 =	simm.s32 $0xF800  }
0x8: {  	s19 =	simm.s32 $0x10000;
	s20 =	simm.s32 $0x10800;
	s21 =	simm.s32 $0x1  }
0x9: {  	s22 =	simm.s32 $0x11000;
	s23 =	simm.s32 $0x0;
	[smem:$0x7FF] =	sst s3  }
0xa: {  	s4 =	sand.u32 $0x1, s4;
	s5 =	sshll.u32 s5, $0x1;
	s8 =	sadd.s32 $0x300, s1  }
0xb: {  	_ =	strace $0x80000047;
	s5 =	sor.u32 s4, s5;
	s4 =	ssub.s32 $0x2, s4  }
0xc: {  	s6 =	sshll.u32 s5, $0x8;
	s5 =	sshll.u32 s5, $0xF;
	s29 =	sshrl.u32 s4, $0x1  }
0xd: {  	s7 =	sadd.s32 s6, s2;
	s2 =	sadd.s32 s5, s2;
	s4 =	ssub.s32 s4, s29  }
0xe: {  	s0 =	sadd.s32 s0, s6;
	s6 =	sadd.s32 $0x100, s1;
	s5 =	simm.s32 $0xC000  }
0xf: {  	v2 =	vlaneseq.u32;
	[dreg:$0x4] =	wrdreg s0;
	s30 =	sadd.s32 $0x1600, s7;
	s7 =	sadd.s32 $0x200, s1  }
0x10: {  	vm0 =	vmmov $0xffff;
	v1 =	vshrl.u32 v2, $0x3;
	s9 =	sadd.s32 $0x3600, s2;
	s31 =	smax.u32 s4, $0x1;
	[dreg:$0x5] =	wrdreg s30  }
0x11: {  	v0 =	vand.u32 $0x7, v2;
	v2 =	vor.u32 $0x8, v2;
	v1 =	vmul.u32 $0x8, v1;
	s2 =	simm.s32 $0xA800;
	s4 =	simm.s32 $0xB800;
	[dreg:$0x6] =	wrdreg s31  }
.LBB2_1:
0x12: {  	[dreg:$0x7] =	wrdreg s23  }
0x13: {  	s0 =	rddreg [dreg:$0x4]  }
0x14: {  	[tilespmem:s3], [sflag:$0x2] =	stream.linear.gather [hbm4b:s0+s3], $0x800, $0x38;
	[tilespmem:$0x13000] =	vst v63  }
0x15: {  	_ =	swait.ge [sflag:s11], $0x800  }
0x16: {  	[sflag:s11] =	ssyncset.done $0x0  }
0x17: {  	s31 =	simm.s32 $0x800;
	s30 =	rddreg [dreg:$0x5];
	[sflag:s11] =	ssyncadd.s32 $0xFFFFF800  }
0x18: {  	[tilespmem:s31], [sflag:$0x2] =	stream.linear.gather [hbm4b:s30+s3], $0x800, $0x38;
	[tilespmem:$0x13000] =	vst v63  }
0x19: {  	_ =	swait.ge [sflag:s11], $0x800  }
0x1a: {  	[sflag:s11] =	ssyncset.done $0x0  }
0x1b: {  	s23 =	simm.s32 $0x0;
	[sflag:s11] =	ssyncadd.s32 $0xFFFFF800  }
.LBB2_2:
0x1c: {  	s24 =	sshll.u32 s23, $0x6  }
0x1d: {  	v3 =	vld [tilespmem:s24+$0x0];
	_ =	sdelay $0x4  }
0x1e: {  	v4 =	vshll.u32 v3, $0x3  }
0x1f: {  	v3 =	vand.u32 $0x7, v3;
	v4 =	vand.u32 $0xFFFFFFC0, v4  }
0x20: {  	v3 =	vor.u32 v3, v4  }
0x21: {  	v4 =	vperm.xlane v3, v0;
	_ =	sdelay $0x1  }
0x22: {  	v4 =	vadd.s32 v1, v4;
	_ =	sdelay $0x3  }
0x23: {  	s25 =	simm.s32 $0x0;
	s0 =	simm.s32 $0x1000  }
0x24: {  	[tilespmem:s0], [sflag:$0x1] =	stream.indirect_vreg.gather [hbm4b:s1+s25], $0x80, v4, vm0, $0xb8;
	[tilespmem:$0x13000] =	vst v63  }
0x25: {  	s26 =	simm.s32 $0x1800;
	v3 =	vperm.xlane v3, v2  }
0x26: {  	[tilespmem:s26], [sflag:$0x1] =	stream.indirect_vreg.gather [hbm4b:s6+s25], $0x80, v4, vm0, $0xb8;
	[tilespmem:$0x13000] =	vst v63  }
0x27: {  	s30 =	simm.s32 $0x2000;
	v3 =	vadd.s32 v1, v3  }
0x28: {  	[tilespmem:s30], [sflag:$0x1] =	stream.indirect_vreg.gather [hbm4b:s7+s25], $0x80, v4, vm0, $0xb8;
	[tilespmem:$0x13000] =	vst v63  }
0x29: {  	s31 =	simm.s32 $0x2800  }
0x2a: {  	[tilespmem:s31], [sflag:$0x1] =	stream.indirect_vreg.gather [hbm4b:s8+s25], $0x80, v4, vm0, $0xb8;
	[tilespmem:$0x13000] =	vst v63  }
0x2b: {  	s26 =	simm.s32 $0x3000  }
0x2c: {  	[tilespmem:s26], [sflag:$0x1] =	stream.indirect_vreg.gather [hbm4b:s1+s25], $0x80, v3, vm0, $0xb8;
	[tilespmem:$0x13000] =	vst v63  }
0x2d: {  	s30 =	simm.s32 $0x3800  }
0x2e: {  	[tilespmem:s30], [sflag:$0x1] =	stream.indirect_vreg.gather [hbm4b:s6+s25], $0x80, v3, vm0, $0xb8;
	[tilespmem:$0x13000] =	vst v63  }
0x2f: {  	s31 =	simm.s32 $0x4000  }
0x30: {  	[tilespmem:s31], [sflag:$0x1] =	stream.indirect_vreg.gather [hbm4b:s7+s25], $0x80, v3, vm0, $0xb8;
	[tilespmem:$0x13000] =	vst v63  }
0x31: {  	s26 =	simm.s32 $0x4800  }
0x32: {  	[tilespmem:s26], [sflag:$0x1] =	stream.indirect_vreg.gather [hbm4b:s8+s25], $0x80, v3, vm0, $0xb8;
	[tilespmem:$0x13000] =	vst v63  }
0x33: {  	v3 =	vld [tilespmem:s24+$0x10];
	_ =	sdelay $0x4  }
0x34: {  	v4 =	vshll.u32 v3, $0x3  }
0x35: {  	v3 =	vand.u32 $0x7, v3;
	v4 =	vand.u32 $0xFFFFFFC0, v4  }
0x36: {  	v3 =	vor.u32 v3, v4  }
0x37: {  	v4 =	vperm.xlane v3, v0;
	_ =	sdelay $0x1  }
0x38: {  	v4 =	vadd.s32 v1, v4;
	_ =	sdelay $0x3  }
0x39: {  	s30 =	simm.s32 $0x5000  }
0x3a: {  	[tilespmem:s30], [sflag:$0x1] =	stream.indirect_vreg.gather [hbm4b:s1+s25], $0x80, v4, vm0, $0xb8;
	[tilespmem:$0x13000] =	vst v63  }
0x3b: {  	s31 =	simm.s32 $0x5800;
	v3 =	vperm.xlane v3, v2  }
0x3c: {  	[tilespmem:s31], [sflag:$0x1] =	stream.indirect_vreg.gather [hbm4b:s6+s25], $0x80, v4, vm0, $0xb8;
	[tilespmem:$0x13000] =	vst v63  }
0x3d: {  	s26 =	simm.s32 $0x6000;
	v3 =	vadd.s32 v1, v3  }
0x3e: {  	[tilespmem:s26], [sflag:$0x1] =	stream.indirect_vreg.gather [hbm4b:s7+s25], $0x80, v4, vm0, $0xb8;
	[tilespmem:$0x13000] =	vst v63  }
0x3f: {  	s30 =	simm.s32 $0x6800  }
0x40: {  	[tilespmem:s30], [sflag:$0x1] =	stream.indirect_vreg.gather [hbm4b:s8+s25], $0x80, v4, vm0, $0xb8;
	[tilespmem:$0x13000] =	vst v63  }
0x41: {  	s31 =	simm.s32 $0x7000  }
0x42: {  	[tilespmem:s31], [sflag:$0x1] =	stream.indirect_vreg.gather [hbm4b:s1+s25], $0x80, v3, vm0, $0xb8;
	[tilespmem:$0x13000] =	vst v63  }
0x43: {  	s26 =	simm.s32 $0x7800  }
0x44: {  	[tilespmem:s26], [sflag:$0x1] =	stream.indirect_vreg.gather [hbm4b:s6+s25], $0x80, v3, vm0, $0xb8;
	[tilespmem:$0x13000] =	vst v63  }
0x45: {  	s30 =	simm.s32 $0x8000  }
0x46: {  	[tilespmem:s30], [sflag:$0x1] =	stream.indirect_vreg.gather [hbm4b:s7+s25], $0x80, v3, vm0, $0xb8;
	[tilespmem:$0x13000] =	vst v63  }
0x47: {  	s31 =	simm.s32 $0x8800  }
0x48: {  	[tilespmem:s31], [sflag:$0x1] =	stream.indirect_vreg.gather [hbm4b:s8+s25], $0x80, v3, vm0, $0xb8;
	[tilespmem:$0x13000] =	vst v63  }
0x49: {  	v3 =	vld [tilespmem:s24+$0x20];
	_ =	sdelay $0x4  }
0x4a: {  	v4 =	vshll.u32 v3, $0x3  }
0x4b: {  	v3 =	vand.u32 $0x7, v3;
	v4 =	vand.u32 $0xFFFFFFC0, v4  }
0x4c: {  	v3 =	vor.u32 v3, v4  }
0x4d: {  	v4 =	vperm.xlane v3, v0;
	_ =	sdelay $0x1  }
0x4e: {  	v4 =	vadd.s32 v1, v4;
	_ =	sdelay $0x3  }
0x4f: {  	s26 =	simm.s32 $0x9000  }
0x50: {  	[tilespmem:s26], [sflag:$0x1] =	stream.indirect_vreg.gather [hbm4b:s1+s25], $0x80, v4, vm0, $0xb8;
	[tilespmem:$0x13000] =	vst v63  }
0x51: {  	s30 =	simm.s32 $0x9800;
	v3 =	vperm.xlane v3, v2  }
0x52: {  	[tilespmem:s30], [sflag:$0x1] =	stream.indirect_vreg.gather [hbm4b:s6+s25], $0x80, v4, vm0, $0xb8;
	[tilespmem:$0x13000] =	vst v63  }
0x53: {  	s31 =	simm.s32 $0xA000;
	v3 =	vadd.s32 v1, v3  }
0x54: {  	[tilespmem:s31], [sflag:$0x1] =	stream.indirect_vreg.gather [hbm4b:s7+s25], $0x80, v4, vm0, $0xb8;
	[tilespmem:$0x13000] =	vst v63  }
0x55: {  	_ = 	snop  }
0x56: {  	[tilespmem:s2], [sflag:$0x1] =	stream.indirect_vreg.gather [hbm4b:s8+s25], $0x80, v4, vm0, $0xb8;
	[tilespmem:$0x13000] =	vst v63  }
0x57: {  	_ = 	snop  }
0x58: {  	[tilespmem:s12], [sflag:$0x1] =	stream.indirect_vreg.gather [hbm4b:s1+s25], $0x80, v3, vm0, $0xb8;
	[tilespmem:$0x13000] =	vst v63  }
0x59: {  	_ = 	snop  }
0x5a: {  	[tilespmem:s4], [sflag:$0x1] =	stream.indirect_vreg.gather [hbm4b:s6+s25], $0x80, v3, vm0, $0xb8;
	[tilespmem:$0x13000] =	vst v63  }
0x5b: {  	_ = 	snop  }
0x5c: {  	[tilespmem:s5], [sflag:$0x1] =	stream.indirect_vreg.gather [hbm4b:s7+s25], $0x80, v3, vm0, $0xb8;
	[tilespmem:$0x13000] =	vst v63  }
0x5d: {  	_ = 	snop  }
0x5e: {  	[tilespmem:s10], [sflag:$0x1] =	stream.indirect_vreg.gather [hbm4b:s8+s25], $0x80, v3, vm0, $0xb8;
	[tilespmem:$0x13000] =	vst v63  }
0x5f: {  	v3 =	vld [tilespmem:s24+$0x30];
	_ =	sdelay $0x4  }
0x60: {  	v4 =	vshll.u32 v3, $0x3  }
0x61: {  	v3 =	vand.u32 $0x7, v3;
	v4 =	vand.u32 $0xFFFFFFC0, v4  }
0x62: {  	v3 =	vor.u32 v3, v4  }
0x63: {  	v4 =	vperm.xlane v3, v0;
	_ =	sdelay $0x1  }
0x64: {  	v4 =	vadd.s32 v1, v4;
	_ =	sdelay $0x4  }
0x65: {  	[tilespmem:s13], [sflag:$0x1] =	stream.indirect_vreg.gather [hbm4b:s1+s25], $0x80, v4, vm0, $0xb8;
	[tilespmem:$0x13000] =	vst v63  }
0x66: {  	v3 =	vperm.xlane v3, v2  }
0x67: {  	[tilespmem:s14], [sflag:$0x1] =	stream.indirect_vreg.gather [hbm4b:s6+s25], $0x80, v4, vm0, $0xb8;
	[tilespmem:$0x13000] =	vst v63  }
0x68: {  	v3 =	vadd.s32 v1, v3  }
0x69: {  	[tilespmem:s15], [sflag:$0x1] =	stream.indirect_vreg.gather [hbm4b:s7+s25], $0x80, v4, vm0, $0xb8;
	[tilespmem:$0x13000] =	vst v63  }
0x6a: {  	_ = 	snop  }
0x6b: {  	[tilespmem:s16], [sflag:$0x1] =	stream.indirect_vreg.gather [hbm4b:s8+s25], $0x80, v4, vm0, $0xb8;
	[tilespmem:$0x13000] =	vst v63  }
0x6c: {  	_ = 	snop  }
0x6d: {  	[tilespmem:s17], [sflag:$0x1] =	stream.indirect_vreg.gather [hbm4b:s1+s25], $0x80, v3, vm0, $0xb8;
	[tilespmem:$0x13000] =	vst v63  }
0x6e: {  	_ = 	snop  }
0x6f: {  	[tilespmem:s18], [sflag:$0x1] =	stream.indirect_vreg.gather [hbm4b:s6+s25], $0x80, v3, vm0, $0xb8;
	[tilespmem:$0x13000] =	vst v63  }
0x70: {  	_ = 	snop  }
0x71: {  	[tilespmem:s19], [sflag:$0x1] =	stream.indirect_vreg.gather [hbm4b:s7+s25], $0x80, v3, vm0, $0xb8;
	[tilespmem:$0x13000] =	vst v63  }
0x72: {  	_ = 	snop  }
0x73: {  	[tilespmem:s20], [sflag:$0x1] =	stream.indirect_vreg.gather [hbm4b:s8+s25], $0x80, v3, vm0, $0xb8;
	[tilespmem:$0x13000] =	vst v63  }
0x74: {  	_ =	swait.ge [sflag:s21], $0x10000  }
0x75: {  	[sflag:s21] =	ssyncset.done $0x0  }
0x76: {  	[sflag:s21] =	ssyncadd.s32 $0xFFFF0000  }
0x77: {  	s28 =	sand.u32 $0x1C00, s25;
	s26 =	sand.u32 $0x70, s25;
	v3 =	vld [tilespmem:s24+$0x800]  }
0x78: {  	s26 =	sor.u32 s26, s28  }
0x79: {  	v4 =	vld [tilespmem:s26+$0x3000]  }
0x7a: {  	v5 =	vld [tilespmem:s26+$0x1000]  }
0x7b: {  	v6 =	vld [tilespmem:s26+$0x3080]  }
0x7c: {  	v7 =	vld [tilespmem:s26+$0x1080];
	v8 =	vbroadcast v3, $0x8  }
0x7d: {  	v10 =	vld [tilespmem:s26+$0x3100];
	v9 =	vbroadcast v3, $0x0  }
0x7e: {  	v11 =	vld [tilespmem:s26+$0x1100];
	v12 =	vbroadcast v3, $0x9;
	v4 =	vmul.f32 v4, v8  }
0x7f: {  	v8 =	vbroadcast v3, $0x1;
	v5 =	vmul.f32 v5, v9;
	v9 =	vld [tilespmem:s26+$0x3180]  }
0x80: {  	v13 =	vbroadcast v3, $0xA;
	v6 =	vmul.f32 v6, v12;
	v12 =	vld [tilespmem:s26+$0x1180];
	v4 =	vadd.f32 $0.0e+00, v4  }
0x81: {  	v14 =	vbroadcast v3, $0x2;
	v7 =	vmul.f32 v7, v8;
	v5 =	vadd.f32 $0.0e+00, v5;
	v8 =	vld [tilespmem:s26+$0x3200]  }
0x82: {  	v16 =	vld [tilespmem:s26+$0x1200];
	v15 =	vbroadcast v3, $0xB;
	v4 =	vadd.f32 v6, v4;
	v6 =	vmul.f32 v10, v13  }
0x83: {  	v10 =	vmul.f32 v11, v14;
	v11 =	vbroadcast v3, $0x3;
	v5 =	vadd.f32 v7, v5;
	v7 =	vld [tilespmem:s26+$0x3280]  }
0x84: {  	v13 =	vbroadcast v3, $0xC;
	v14 =	vld [tilespmem:s26+$0x1280];
	v4 =	vadd.f32 v6, v4;
	v6 =	vmul.f32 v9, v15  }
0x85: {  	v9 =	vbroadcast v3, $0x4;
	v5 =	vadd.f32 v10, v5;
	v10 =	vmul.f32 v12, v11;
	v11 =	vld [tilespmem:s26+$0x3300]  }
0x86: {  	s28 =	sor.u32 s25, s25;
	v12 =	vbroadcast v3, $0xD;
	v15 =	vld [tilespmem:s26+$0x1300];
	v4 =	vadd.f32 v6, v4;
	v6 =	vmul.f32 v8, v13  }
0x87: {  	s28 =	sor.u32 $0x380, s28;
	v8 =	vbroadcast v3, $0x5;
	v5 =	vadd.f32 v10, v5;
	v9 =	vmul.f32 v16, v9;
	v10 =	vld [tilespmem:s26+$0x3380]  }
0x88: {  	v58 =	vld [tilespmem:s28+$0x1000];
	v13 =	vbroadcast v3, $0xE;
	v4 =	vadd.f32 v6, v4;
	v6 =	vmul.f32 v7, v12  }
0x89: {  	v7 =	vbroadcast v3, $0x6;
	v5 =	vadd.f32 v9, v5;
	v8 =	vmul.f32 v14, v8  }
0x8a: {  	v9 =	vbroadcast v3, $0xF;
	v4 =	vadd.f32 v6, v4;
	v6 =	vmul.f32 v11, v13  }
0x8b: {  	v3 =	vbroadcast v3, $0x7;
	v5 =	vadd.f32 v8, v5;
	v7 =	vmul.f32 v15, v7  }
0x8c: {  	v4 =	vadd.f32 v6, v4;
	v6 =	vmul.f32 v10, v9  }
0x8d: {  	v5 =	vadd.f32 v7, v5;
	v7 =	vmul.f32 v58, v3  }
0x8e: {  	v4 =	vadd.f32 v6, v4  }
0x8f: {  	v5 =	vadd.f32 v7, v5  }
0x90: {  	[tilespmem:s26+$0x11080] =	vst v4  }
0x91: {  	[tilespmem:s26+$0x11000] =	vst v5  }
0x92: {  	v4 =	vld [tilespmem:s24+$0x810];
	_ =	sdelay $0x1  }
0x93: {  	v5 =	vld [tilespmem:s26+$0x5000]  }
0x94: {  	v6 =	vld [tilespmem:s26+$0x7000]  }
0x95: {  	v7 =	vld [tilespmem:s26+$0x5080]  }
0x96: {  	v8 =	vld [tilespmem:s26+$0x7080];
	v9 =	vbroadcast v4, $0x0  }
0x97: {  	v10 =	vld [tilespmem:s26+$0x5100];
	v11 =	vbroadcast v4, $0x8  }
0x98: {  	v12 =	vbroadcast v4, $0x1;
	v5 =	vmul.f32 v5, v9;
	v9 =	vld [tilespmem:s26+$0x7100]  }
0x99: {  	v14 =	vld [tilespmem:s26+$0x5180];
	v13 =	vbroadcast v4, $0x9;
	v6 =	vmul.f32 v6, v11  }
0x9a: {  	v11 =	vbroadcast v4, $0x2;
	v7 =	vmul.f32 v7, v12;
	v12 =	vld [tilespmem:s26+$0x7180];
	v5 =	vadd.f32 $0.0e+00, v5  }
0x9b: {  	v15 =	vbroadcast v4, $0xA;
	v8 =	vmul.f32 v8, v13;
	v13 =	vld [tilespmem:s26+$0x5200];
	v6 =	vadd.f32 $0.0e+00, v6  }
0x9c: {  	v59 =	vbroadcast v4, $0x3;
	v5 =	vadd.f32 v7, v5;
	v7 =	vmul.f32 v10, v11;
	v10 =	vld [tilespmem:s26+$0x7200]  }
0x9d: {  	v17 =	vld [tilespmem:s26+$0x5280];
	v11 =	vbroadcast v4, $0xB;
	v6 =	vadd.f32 v8, v6;
	v8 =	vmul.f32 v9, v15  }
0x9e: {  	v9 =	vbroadcast v4, $0x4;
	v5 =	vadd.f32 v7, v5;
	v7 =	vmul.f32 v14, v59;
	v14 =	vld [tilespmem:s26+$0x7280]  }
0x9f: {  	v60 =	vld [tilespmem:s26+$0x5300];
	v15 =	vbroadcast v4, $0xC;
	v6 =	vadd.f32 v8, v6;
	v8 =	vmul.f32 v12, v11  }
0xa0: {  	v11 =	vbroadcast v4, $0x5;
	v5 =	vadd.f32 v7, v5;
	v7 =	vmul.f32 v13, v9;
	v9 =	vld [tilespmem:s26+$0x7300]  }
0xa1: {  	v12 =	vbroadcast v4, $0xD;
	v13 =	vld [tilespmem:s26+$0x5380];
	v6 =	vadd.f32 v8, v6;
	v8 =	vmul.f32 v10, v15  }
0xa2: {  	v10 =	vbroadcast v4, $0x6;
	v5 =	vadd.f32 v7, v5;
	v7 =	vmul.f32 v17, v11;
	v11 =	vld [tilespmem:s26+$0x7380]  }
0xa3: {  	v15 =	vbroadcast v4, $0xE;
	v6 =	vadd.f32 v8, v6;
	v8 =	vmul.f32 v14, v12  }
0xa4: {  	v12 =	vbroadcast v4, $0x7;
	v5 =	vadd.f32 v7, v5;
	v7 =	vmul.f32 v60, v10  }
0xa5: {  	v4 =	vbroadcast v4, $0xF;
	v6 =	vadd.f32 v8, v6;
	v8 =	vmul.f32 v9, v15  }
0xa6: {  	v5 =	vadd.f32 v7, v5;
	v7 =	vmul.f32 v13, v12  }
0xa7: {  	v6 =	vadd.f32 v8, v6;
	v4 =	vmul.f32 v11, v4  }
0xa8: {  	v5 =	vadd.f32 v7, v5  }
0xa9: {  	v4 =	vadd.f32 v4, v6  }
0xaa: {  	[tilespmem:s26+$0x11100] =	vst v5  }
0xab: {  	[tilespmem:s26+$0x11180] =	vst v4  }
0xac: {  	v4 =	vld [tilespmem:s24+$0x820];
	_ =	sdelay $0x1  }
0xad: {  	v5 =	vld [tilespmem:s26+$0x9000]  }
0xae: {  	v6 =	vld [tilespmem:s26+$0xB000]  }
0xaf: {  	v7 =	vld [tilespmem:s26+$0x9080]  }
0xb0: {  	v8 =	vld [tilespmem:s26+$0xB080];
	v9 =	vbroadcast v4, $0x0  }
0xb1: {  	v10 =	vld [tilespmem:s26+$0x9100];
	v11 =	vbroadcast v4, $0x8  }
0xb2: {  	v12 =	vbroadcast v4, $0x1;
	v5 =	vmul.f32 v5, v9;
	v9 =	vld [tilespmem:s26+$0xB100]  }
0xb3: {  	v14 =	vld [tilespmem:s26+$0x9180];
	v13 =	vbroadcast v4, $0x9;
	v6 =	vmul.f32 v6, v11  }
0xb4: {  	v7 =	vmul.f32 v7, v12;
	v11 =	vbroadcast v4, $0x2;
	v12 =	vld [tilespmem:s26+$0xB180];
	v5 =	vadd.f32 $0.0e+00, v5  }
0xb5: {  	v15 =	vbroadcast v4, $0xA;
	v8 =	vmul.f32 v8, v13;
	v13 =	vld [tilespmem:s26+$0x9200];
	v6 =	vadd.f32 $0.0e+00, v6  }
0xb6: {  	v61 =	vbroadcast v4, $0x3;
	v5 =	vadd.f32 v7, v5;
	v7 =	vmul.f32 v10, v11;
	v10 =	vld [tilespmem:s26+$0xB200]  }
0xb7: {  	v62 =	vld [tilespmem:s26+$0x9280];
	v11 =	vbroadcast v4, $0xB;
	v6 =	vadd.f32 v8, v6;
	v8 =	vmul.f32 v9, v15  }
0xb8: {  	v9 =	vbroadcast v4, $0x4;
	v5 =	vadd.f32 v7, v5;
	v7 =	vmul.f32 v14, v61;
	v14 =	vld [tilespmem:s26+$0xB280]  }
0xb9: {  	v63 =	vld [tilespmem:s26+$0x9300];
	v15 =	vbroadcast v4, $0xC;
	v6 =	vadd.f32 v8, v6;
	v8 =	vmul.f32 v12, v11  }
0xba: {  	v11 =	vbroadcast v4, $0x5;
	v5 =	vadd.f32 v7, v5;
	v7 =	vmul.f32 v13, v9;
	v9 =	vld [tilespmem:s26+$0xB300]  }
0xbb: {  	v12 =	vbroadcast v4, $0xD;
	v13 =	vld [tilespmem:s26+$0x9380];
	v6 =	vadd.f32 v8, v6;
	v8 =	vmul.f32 v10, v15  }
0xbc: {  	v10 =	vbroadcast v4, $0x6;
	v5 =	vadd.f32 v7, v5;
	v7 =	vmul.f32 v62, v11;
	v11 =	vld [tilespmem:s26+$0xB380]  }
0xbd: {  	v15 =	vbroadcast v4, $0xE;
	v6 =	vadd.f32 v8, v6;
	v8 =	vmul.f32 v14, v12  }
0xbe: {  	v12 =	vbroadcast v4, $0x7;
	v5 =	vadd.f32 v7, v5;
	v7 =	vmul.f32 v63, v10  }
0xbf: {  	v4 =	vbroadcast v4, $0xF;
	v6 =	vadd.f32 v8, v6;
	v8 =	vmul.f32 v9, v15  }
0xc0: {  	v5 =	vadd.f32 v7, v5;
	v7 =	vmul.f32 v13, v12  }
0xc1: {  	v6 =	vadd.f32 v8, v6;
	v4 =	vmul.f32 v11, v4  }
0xc2: {  	v5 =	vadd.f32 v7, v5  }
0xc3: {  	v4 =	vadd.f32 v4, v6  }
0xc4: {  	[tilespmem:s26+$0x11200] =	vst v5  }
0xc5: {  	[tilespmem:s26+$0x11280] =	vst v4  }
0xc6: {  	v4 =	vld [tilespmem:s24+$0x830]  }
0xc7: {  	v3 =	vld [tilespmem:s26+$0xF100]  }
0xc8: {  	v10 =	vld [tilespmem:s26+$0xD000]  }
0xc9: {  	v8 =	vld [tilespmem:s26+$0xF000]  }
0xca: {  	v7 =	vld [tilespmem:s26+$0xD080]  }
0xcb: {  	v6 =	vld [tilespmem:s26+$0xF080];
	v13 =	vbroadcast v4, $0x0;
	v12 =	vbroadcast v4, $0x8  }
0xcc: {  	s29 =	simm.s32 $0x10;
	v5 =	vld [tilespmem:s26+$0xD100];
	v11 =	vbroadcast v4, $0x1;
	v9 =	vbroadcast v4, $0x9  }
.LBB2_3:
0xcd: {  	p0 =	sne.s32 s29, $0x3F0  }
0xce: {  	v10 =	vmul.f32 v10, v13;
	v13 =	vbroadcast v4, $0x2;
	s25 =	sadd.s32 $0x80, s25;
	s30 =	smov.u32 s29;
	s29 =	sadd.s32 $0x10, s29  }
0xcf: {  	v14 =	vld [tilespmem:s26+$0xD180];
	v8 =	vmul.f32 v8, v12;
	v12 =	vbroadcast v4, $0xA  }
0xd0: {  	v10 =	vadd.f32 $0.0e+00, v10;
	v7 =	vmul.f32 v7, v11;
	v11 =	vbroadcast v4, $0x3;
	v15 =	vld [tilespmem:s26+$0xF180]  }
0xd1: {  	v16 =	vld [tilespmem:s26+$0xD200];
	v8 =	vadd.f32 $0.0e+00, v8;
	v6 =	vmul.f32 v6, v9;
	v9 =	vbroadcast v4, $0xB  }
0xd2: {  	v7 =	vadd.f32 v7, v10;
	v5 =	vmul.f32 v5, v13;
	v10 =	vbroadcast v4, $0x4;
	v13 =	vld [tilespmem:s26+$0xF200]  }
0xd3: {  	s31 =	sand.u32 $0x70, s30;
	s0 =	sand.u32 $0x1C00, s25;
	v3 =	vmul.f32 v3, v12;
	v17 =	vld [tilespmem:s26+$0xD280];
	v6 =	vadd.f32 v6, v8;
	v8 =	vbroadcast v4, $0xC  }
0xd4: {  	s0 =	sor.u32 s31, s0;
	v5 =	vadd.f32 v5, v7;
	v7 =	vmul.f32 v14, v11;
	v11 =	vbroadcast v4, $0x5;
	v12 =	vld [tilespmem:s26+$0xF280]  }
0xd5: {  	v14 =	vld [tilespmem:s26+$0xD300];
	v3 =	vadd.f32 v3, v6;
	v6 =	vmul.f32 v15, v9;
	v9 =	vbroadcast v4, $0xD  }
0xd6: {  	v5 =	vadd.f32 v7, v5;
	v7 =	vmul.f32 v16, v10;
	v10 =	vbroadcast v4, $0x6;
	v15 =	vld [tilespmem:s26+$0xF300]  }
0xd7: {  	v16 =	vld [tilespmem:s26+$0xD380];
	v3 =	vadd.f32 v6, v3;
	v6 =	vmul.f32 v13, v8;
	v8 =	vbroadcast v4, $0xE  }
0xd8: {  	v5 =	vadd.f32 v7, v5;
	v7 =	vmul.f32 v17, v11;
	v11 =	vbroadcast v4, $0x7;
	v13 =	vld [tilespmem:s26+$0xF380]  }
0xd9: {  	v4 =	vbroadcast v4, $0xF;
	v3 =	vadd.f32 v6, v3;
	v6 =	vmul.f32 v12, v9  }
0xda: {  	v5 =	vadd.f32 v7, v5;
	v7 =	vmul.f32 v14, v10  }
0xdb: {  	v3 =	vadd.f32 v6, v3;
	v6 =	vmul.f32 v15, v8  }
0xdc: {  	v5 =	vadd.f32 v7, v5;
	v7 =	vmul.f32 v16, v11  }
0xdd: {  	v3 =	vadd.f32 v6, v3;
	v4 =	vmul.f32 v13, v4  }
0xde: {  	v5 =	vadd.f32 v7, v5  }
0xdf: {  	v3 =	vadd.f32 v4, v3  }
0xe0: {  	[tilespmem:s26+$0x11300] =	vst v5;
	s26 =	smov.u32 s0  }
0xe1: {  	[tilespmem:s28+$0x11000] =	vst v3  }
0xe2: {  	v4 =	vld [tilespmem:s24+$0x800]  }
0xe3: {  	v5 =	vld [tilespmem:s26+$0x3000]  }
0xe4: {  	v6 =	vld [tilespmem:s26+$0x3080]  }
0xe5: {  	v7 =	vld [tilespmem:s26+$0x1080]  }
0xe6: {  	v8 =	vld [tilespmem:s26+$0x1000]  }
0xe7: {  	v9 =	vld [tilespmem:s26+$0x1100];
	v10 =	vbroadcast v4, $0x9;
	v11 =	vbroadcast v4, $0xA  }
0xe8: {  	v12 =	vbroadcast v4, $0x0;
	v13 =	vbroadcast v4, $0x8;
	v3 =	vld [tilespmem:s26+$0xF100]  }
0xe9: {  	v14 =	vbroadcast v4, $0x1;
	v15 =	vbroadcast v4, $0x2;
	v16 =	vld [tilespmem:s26+$0x3100]  }
0xea: {  	v5 =	vmul.f32 v5, v13;
	v6 =	vmul.f32 v6, v10  }
0xeb: {  	v7 =	vmul.f32 v7, v14;
	v8 =	vmul.f32 v8, v12;
	v10 =	vld [tilespmem:s26+$0x3180]  }
0xec: {  	v13 =	vbroadcast v4, $0xB;
	v5 =	vadd.f32 $0.0e+00, v5;
	v9 =	vmul.f32 v9, v15;
	v12 =	vld [tilespmem:s26+$0x1180]  }
0xed: {  	v17 =	vbroadcast v4, $0xC;
	v14 =	vbroadcast v4, $0x3;
	v8 =	vadd.f32 $0.0e+00, v8;
	v15 =	vld [tilespmem:s26+$0x3200]  }
0xee: {  	v19 =	vbroadcast v4, $0x4;
	v5 =	vadd.f32 v6, v5;
	v18 =	vld [tilespmem:s26+$0x1200];
	v6 =	vmul.f32 v16, v11  }
0xef: {  	v16 =	vbroadcast v4, $0xD;
	v7 =	vadd.f32 v7, v8;
	v8 =	vbroadcast v4, $0x5;
	v11 =	vld [tilespmem:s26+$0x3280]  }
0xf0: {  	v20 =	vld [tilespmem:s26+$0x1280];
	v5 =	vadd.f32 v6, v5;
	v6 =	vmul.f32 v10, v13;
	v10 =	vbroadcast v4, $0xE  }
0xf1: {  	v7 =	vadd.f32 v9, v7;
	v9 =	vmul.f32 v12, v14;
	v12 =	vbroadcast v4, $0x6;
	v13 =	vld [tilespmem:s26+$0x3300]  }
0xf2: {  	s0 =	sor.u32 s25, s30;
	v14 =	vld [tilespmem:s26+$0x1300];
	v5 =	vadd.f32 v6, v5;
	v6 =	vmul.f32 v15, v17;
	v15 =	vbroadcast v4, $0xF  }
0xf3: {  	s28 =	sor.u32 $0x380, s0;
	v4 =	vbroadcast v4, $0x7;
	v7 =	vadd.f32 v9, v7;
	v9 =	vmul.f32 v18, v19;
	v17 =	vld [tilespmem:s26+$0x3380]  }
0xf4: {  	v18 =	vld [tilespmem:s28+$0x1000];
	v5 =	vadd.f32 v6, v5;
	v6 =	vmul.f32 v11, v16  }
0xf5: {  	v7 =	vadd.f32 v9, v7;
	v8 =	vmul.f32 v20, v8  }
0xf6: {  	v5 =	vadd.f32 v6, v5;
	v6 =	vmul.f32 v13, v10  }
0xf7: {  	v7 =	vadd.f32 v8, v7;
	v8 =	vmul.f32 v14, v12  }
0xf8: {  	v5 =	vadd.f32 v6, v5;
	v6 =	vmul.f32 v17, v15  }
0xf9: {  	v7 =	vadd.f32 v8, v7;
	v4 =	vmul.f32 v18, v4  }
0xfa: {  	v5 =	vadd.f32 v6, v5  }
0xfb: {  	v4 =	vadd.f32 v4, v7  }
0xfc: {  	[tilespmem:s26+$0x11080] =	vst v5  }
0xfd: {  	[tilespmem:s26+$0x11000] =	vst v4  }
0xfe: {  	v4 =	vld [tilespmem:s24+$0x810]  }
0xff: {  	v5 =	vld [tilespmem:s26+$0x7080]  }
0x100: {  	v6 =	vld [tilespmem:s26+$0x5000]  }
0x101: {  	v7 =	vld [tilespmem:s26+$0x7000]  }
0x102: {  	v8 =	vld [tilespmem:s26+$0x5080]  }
0x103: {  	v9 =	vbroadcast v4, $0x0;
	v10 =	vbroadcast v4, $0x9  }
0x104: {  	v11 =	vbroadcast v4, $0x1;
	v13 =	vbroadcast v4, $0x8;
	v12 =	vld [tilespmem:s26+$0x5100]  }
0x105: {  	v6 =	vmul.f32 v6, v9;
	v9 =	vbroadcast v4, $0x2;
	v14 =	vld [tilespmem:s26+$0x7100]  }
0x106: {  	v15 =	vld [tilespmem:s26+$0x5180];
	v7 =	vmul.f32 v7, v13;
	v13 =	vbroadcast v4, $0xA  }
0x107: {  	v5 =	vmul.f32 v5, v10;
	v6 =	vadd.f32 $0.0e+00, v6;
	v8 =	vmul.f32 v8, v11;
	v10 =	vld [tilespmem:s26+$0x7180]  }
0x108: {  	v17 =	vbroadcast v4, $0xB;
	v11 =	vbroadcast v4, $0x3;
	v16 =	vld [tilespmem:s26+$0x5200];
	v7 =	vadd.f32 $0.0e+00, v7  }
0x109: {  	v6 =	vadd.f32 v8, v6;
	v8 =	vmul.f32 v12, v9;
	v9 =	vbroadcast v4, $0x4;
	v12 =	vld [tilespmem:s26+$0x7200]  }
0x10a: {  	v18 =	vld [tilespmem:s26+$0x5280];
	v5 =	vadd.f32 v5, v7;
	v7 =	vmul.f32 v14, v13;
	v13 =	vbroadcast v4, $0xC  }
0x10b: {  	v6 =	vadd.f32 v8, v6;
	v8 =	vmul.f32 v15, v11;
	v11 =	vbroadcast v4, $0x5;
	v14 =	vld [tilespmem:s26+$0x7280]  }
0x10c: {  	v15 =	vld [tilespmem:s26+$0x5300];
	v5 =	vadd.f32 v7, v5;
	v7 =	vmul.f32 v10, v17;
	v10 =	vbroadcast v4, $0xD  }
0x10d: {  	v6 =	vadd.f32 v8, v6;
	v8 =	vmul.f32 v16, v9;
	v9 =	vbroadcast v4, $0x6;
	v16 =	vld [tilespmem:s26+$0x7300]  }
0x10e: {  	v17 =	vld [tilespmem:s26+$0x5380];
	v5 =	vadd.f32 v7, v5;
	v7 =	vmul.f32 v12, v13;
	v12 =	vbroadcast v4, $0xE  }
0x10f: {  	v6 =	vadd.f32 v8, v6;
	v8 =	vmul.f32 v18, v11;
	v11 =	vbroadcast v4, $0x7;
	v13 =	vld [tilespmem:s26+$0x7380]  }
0x110: {  	v4 =	vbroadcast v4, $0xF;
	v5 =	vadd.f32 v7, v5;
	v7 =	vmul.f32 v14, v10  }
0x111: {  	v6 =	vadd.f32 v8, v6;
	v8 =	vmul.f32 v15, v9  }
0x112: {  	v5 =	vadd.f32 v7, v5;
	v7 =	vmul.f32 v16, v12  }
0x113: {  	v6 =	vadd.f32 v8, v6;
	v8 =	vmul.f32 v17, v11  }
0x114: {  	v5 =	vadd.f32 v7, v5;
	v4 =	vmul.f32 v13, v4  }
0x115: {  	v6 =	vadd.f32 v8, v6  }
0x116: {  	v4 =	vadd.f32 v4, v5  }
0x117: {  	[tilespmem:s26+$0x11100] =	vst v6  }
0x118: {  	[tilespmem:s26+$0x11180] =	vst v4  }
0x119: {  	v4 =	vld [tilespmem:s24+$0x820]  }
0x11a: {  	v5 =	vld [tilespmem:s26+$0xB080]  }
0x11b: {  	v6 =	vld [tilespmem:s26+$0x9000]  }
0x11c: {  	v7 =	vld [tilespmem:s26+$0xB000]  }
0x11d: {  	v8 =	vld [tilespmem:s26+$0x9080]  }
0x11e: {  	v9 =	vbroadcast v4, $0x0;
	v10 =	vbroadcast v4, $0x9  }
0x11f: {  	v11 =	vbroadcast v4, $0x1;
	v13 =	vbroadcast v4, $0x8;
	v12 =	vld [tilespmem:s26+$0x9100]  }
0x120: {  	v14 =	vbroadcast v4, $0xA;
	v6 =	vmul.f32 v6, v9;
	v9 =	vld [tilespmem:s26+$0xB100]  }
0x121: {  	v5 =	vmul.f32 v5, v10;
	v15 =	vld [tilespmem:s26+$0x9180];
	v7 =	vmul.f32 v7, v13  }
0x122: {  	v10 =	vbroadcast v4, $0x2;
	v6 =	vadd.f32 $0.0e+00, v6;
	v8 =	vmul.f32 v8, v11;
	v11 =	vld [tilespmem:s26+$0xB180]  }
0x123: {  	v17 =	vbroadcast v4, $0xB;
	v13 =	vbroadcast v4, $0x3;
	v16 =	vld [tilespmem:s26+$0x9200];
	v7 =	vadd.f32 $0.0e+00, v7  }
0x124: {  	v6 =	vadd.f32 v8, v6;
	v8 =	vmul.f32 v12, v10;
	v10 =	vbroadcast v4, $0x4;
	v12 =	vld [tilespmem:s26+$0xB200]  }
0x125: {  	v18 =	vld [tilespmem:s26+$0x9280];
	v5 =	vadd.f32 v5, v7;
	v7 =	vmul.f32 v9, v14;
	v9 =	vbroadcast v4, $0xC  }
0x126: {  	v6 =	vadd.f32 v8, v6;
	v8 =	vmul.f32 v15, v13;
	v13 =	vbroadcast v4, $0x5;
	v14 =	vld [tilespmem:s26+$0xB280]  }
0x127: {  	v15 =	vld [tilespmem:s26+$0x9300];
	v5 =	vadd.f32 v7, v5;
	v7 =	vmul.f32 v11, v17;
	v11 =	vbroadcast v4, $0xD  }
0x128: {  	v6 =	vadd.f32 v8, v6;
	v8 =	vmul.f32 v16, v10;
	v10 =	vbroadcast v4, $0x6;
	v16 =	vld [tilespmem:s26+$0xB300]  }
0x129: {  	v17 =	vld [tilespmem:s26+$0x9380];
	v5 =	vadd.f32 v7, v5;
	v7 =	vmul.f32 v12, v9;
	v9 =	vbroadcast v4, $0xE  }
0x12a: {  	v12 =	vbroadcast v4, $0x7;
	v6 =	vadd.f32 v8, v6;
	v8 =	vmul.f32 v18, v13;
	v13 =	vld [tilespmem:s26+$0xB380]  }
0x12b: {  	v4 =	vbroadcast v4, $0xF;
	v5 =	vadd.f32 v7, v5;
	v7 =	vmul.f32 v14, v11  }
0x12c: {  	v6 =	vadd.f32 v8, v6;
	v8 =	vmul.f32 v15, v10  }
0x12d: {  	v5 =	vadd.f32 v7, v5;
	v7 =	vmul.f32 v16, v9  }
0x12e: {  	v6 =	vadd.f32 v8, v6;
	v8 =	vmul.f32 v17, v12  }
0x12f: {  	v5 =	vadd.f32 v7, v5;
	v4 =	vmul.f32 v13, v4  }
0x130: {  	v6 =	vadd.f32 v8, v6  }
0x131: {  	v4 =	vadd.f32 v4, v5  }
0x132: {  	[tilespmem:s26+$0x11200] =	vst v6  }
0x133: {  	[tilespmem:s26+$0x11280] =	vst v4  }
0x134: {  	v4 =	vld [tilespmem:s24+$0x830];
	_ =	sdelay $0x1  }
.Ltmp0:
0x135: {  	v10 =	vld [tilespmem:s26+$0xD000];
	(pc) =	sbr.rel @p0 .LBB2_3-.Ltmp0, $4  }
0x136: {  	v8 =	vld [tilespmem:s26+$0xF000]  }
0x137: {  	v7 =	vld [tilespmem:s26+$0xD080]  }
0x138: {  	v13 =	vbroadcast v4, $0x0;
	v12 =	vbroadcast v4, $0x8;
	v6 =	vld [tilespmem:s26+$0xF080]  }
0x139: {  	v11 =	vbroadcast v4, $0x1;
	v9 =	vbroadcast v4, $0x9;
	v5 =	vld [tilespmem:s26+$0xD100]  }
0x13a: {  	v10 =	vmul.f32 v10, v13  }
0x13b: {  	v36 =	vld [tilespmem:s26+$0xD180];
	v8 =	vmul.f32 v8, v12  }
0x13c: {  	v37 =	vbroadcast v4, $0x2;
	v38 =	vld [tilespmem:s26+$0xF180];
	v10 =	vadd.f32 $0.0e+00, v10;
	v7 =	vmul.f32 v7, v11  }
0x13d: {  	v14 =	vbroadcast v4, $0xA;
	v15 =	vld [tilespmem:s26+$0xD200];
	v8 =	vadd.f32 $0.0e+00, v8;
	v6 =	vmul.f32 v6, v9  }
0x13e: {  	v39 =	vbroadcast v4, $0x3;
	v40 =	vld [tilespmem:s26+$0xF200];
	v7 =	vadd.f32 v7, v10;
	v5 =	vmul.f32 v5, v37  }
0x13f: {  	v41 =	vbroadcast v4, $0xB;
	v16 =	vld [tilespmem:s26+$0xD280];
	v3 =	vmul.f32 v3, v14;
	v6 =	vadd.f32 v6, v8  }
0x140: {  	v42 =	vbroadcast v4, $0x4;
	v44 =	vld [tilespmem:s26+$0xF280];
	v43 =	vmul.f32 v36, v39;
	v5 =	vadd.f32 v5, v7  }
0x141: {  	v45 =	vbroadcast v4, $0xC;
	v46 =	vld [tilespmem:s26+$0xD300];
	v47 =	vmul.f32 v38, v41;
	v3 =	vadd.f32 v3, v6  }
0x142: {  	v48 =	vbroadcast v4, $0x5;
	v50 =	vld [tilespmem:s26+$0xF300];
	v49 =	vmul.f32 v15, v42;
	v5 =	vadd.f32 v43, v5  }
0x143: {  	v51 =	vbroadcast v4, $0xD;
	v52 =	vld [tilespmem:s26+$0xD380];
	v53 =	vmul.f32 v40, v45;
	v3 =	vadd.f32 v47, v3  }
0x144: {  	v54 =	vbroadcast v4, $0x6;
	v56 =	vld [tilespmem:s26+$0xF380];
	v55 =	vmul.f32 v16, v48;
	v5 =	vadd.f32 v49, v5  }
0x145: {  	v57 =	vbroadcast v4, $0xE;
	v58 =	vmul.f32 v44, v51;
	v3 =	vadd.f32 v53, v3  }
0x146: {  	v59 =	vbroadcast v4, $0x7;
	v60 =	vmul.f32 v46, v54;
	v5 =	vadd.f32 v55, v5  }
0x147: {  	v61 =	vbroadcast v4, $0xF;
	v62 =	vmul.f32 v50, v57;
	v3 =	vadd.f32 v58, v3  }
0x148: {  	v63 =	vmul.f32 v52, v59;
	v5 =	vadd.f32 v60, v5  }
0x149: {  	v4 =	vmul.f32 v56, v61;
	v3 =	vadd.f32 v62, v3  }
0x14a: {  	v5 =	vadd.f32 v63, v5  }
0x14b: {  	s0 =	sshll.u32 s23, $0xA;
	s23 =	sadd.s32 $0x1, s23;
	v3 =	vadd.f32 v4, v3  }
0x14c: {  	p0 =	sne.s32 s23, $0x20;
	[tilespmem:s26+$0x11300] =	vst v5  }
.Ltmp1:
0x14d: {  	s0 =	sadd.s32 s0, s9;
	[tilespmem:s28+$0x11000] =	vst v3;
	(pc) =	sbr.rel @p0 .LBB2_2-.Ltmp1, $4  }
0x14e: {  	[hbm4b:s0+s3] =	stream.linear.scatter [tilespmem:s22], [sflag:$0x2], $0x2000, $0x38;
	[tilespmem:$0x13000] =	vst v63  }
0x14f: {  	_ =	swait.ge [sflag:s11], $0x2000  }
0x150: {  	[sflag:s11] =	ssyncset.done $0x0  }
0x151: {  	[sflag:s11] =	ssyncadd.s32 $0xFFFFE000  }
0x152: {  	s23 =	rddreg [dreg:$0x7]  }
0x153: {  	s0 =	rddreg [dreg:$0x6];
	s23 =	sadd.s32 $0x1, s23  }
0x154: {  	p0 =	sne.s32 s23, s0  }
.Ltmp2:
0x155: {  	_ = 	snop;
	(pc) =	sbr.rel @p0 .LBB2_1-.Ltmp2, $1  }
0x156: {  	_ =	sdelay $0x3  }
0x157: {  	_ =	sfence.sel $0x180000  }
0x158: {  	[bflag:$0x0] =	sbarrier.arrive $0xFFFF  }
0x159: {  	_ =	strace $0x90000047  }
0x15a: {  	s0 =	stileid.u32;
	[bflag:$0x2] =	sbarrier.arrive $0xFFFF  }
0x15b: {  	p0 =	sne.s32 s0, $0x0;
	s0 =	rddreg [dreg:$0x3]  }
0x15c: {  	s0 =	sadd.s32 @!p0 $0x100000, s0  }
0x15d: {  	[sflag:s0] =	ssyncadd.tile.s32 @!p0 $0x1;
	_ =	shalt  }
.Lfunc_end2:
_tile_overlayer_lowered:
.L_overlay_start_2:
0x15e: {  	(tag) =	ssettag $0x2  }
0x15f: {  	s0 =	rddreg [dreg:$0x0];
	s2 =	stileid.u32  }
0x160: {  	s1 =	rddreg [dreg:$0x1];
	p0 =	sne.s32 s2, $0x0  }
0x161: {  	s3 =	rddreg [dreg:$0x2];
	[bflag:$0x3] =	sbarrier.arrive $0xFFFF;
	s2 =	simm.s32 @!p0 $0x1C02  }
0x162: {  	[timem:s3], [sflag:s2] =	dma.local @!p0 [hbm:s0], s1  }
0x163: {  	s0 =	simm.s32 @!p0 $0x2  }
0x164: {  	_ =	swait.ge @!p0 [sflag:s0], s1  }
0x165: {  	s1 =	ssub.s32 @!p0 $0x0, s1;
	[sflag:s0] =	ssyncset.done @!p0 $0x0  }
0x166: {  	[sflag:s0] =	ssyncadd.s32 @!p0 s1  }
0x167: {  	[bflag:$0x3] =	sbarrier.arrive $0xFFFF  }
0x168: {  	_ =	shalt  }

</sc_bundles>
